<compile_context>
chip_gen: v7x
topology: tpu7x:2x2x1
jax: 0.10.2.dev20260603
libtpu: 0.0.44.dev20260713+nightly
codegen_flags: <defaults>
</compile_context>

<pallas_src>
import jax
import jax.numpy as jnp
from jax import lax
from jax.experimental import pallas as pl
from jax.experimental.pallas import tpu as pltpu
from jax.experimental.pallas import tpu_sc as plsc

N = 10000
E = 320000
D = 128
NUM_REL = 8
NUM_BASES = 2

NSUB = 16
NCORE = 2
CHUNK = 128
NBUF = 2
CPS = 158
EPS = CPS * CHUNK
EPAD = NSUB * EPS
ROWS_PER_SUB = 632
N_ACC = NSUB * ROWS_PER_SUB
FLUSH = (128, 128, 128, 128, 120)
TBL = NUM_BASES * NUM_REL * N


def _scale_body(w_ref, x_ref, o_ref):
    o_ref[:] = w_ref[pl.program_id(0)] * x_ref[:]


def _build_table(w_flat, x):
    return pl.pallas_call(
        _scale_body,
        grid=(NUM_BASES * NUM_REL,),
        in_specs=[
            pl.BlockSpec(memory_space=pltpu.SMEM),
            pl.BlockSpec((N, D), lambda i: (0, 0)),
        ],
        out_specs=pl.BlockSpec((N, D), lambda i: (i, 0)),
        out_shape=jax.ShapeDtypeStruct((TBL, D), jnp.float32),
    )(w_flat, x)


def _sc_body(table, comb, zeros, out, *refs):
    idx_v = list(refs[0:NBUF])
    rows_v = list(refs[NBUF:2 * NBUF])
    acc = refs[2 * NBUF]
    gsem = list(refs[2 * NBUF + 1:2 * NBUF + 1 + NBUF])
    isem = list(refs[2 * NBUF + 1 + NBUF:2 * NBUF + 1 + 2 * NBUF])

    c = lax.axis_index("c")
    s = lax.axis_index("s")
    base = s * ROWS_PER_SUB

    def load_idx(b, j):
        pltpu.sync_copy(comb.at[c, s, j], idx_v[b])

    def start_idx(b, j):
        pltpu.async_copy(comb.at[c, s, j], idx_v[b], isem[b])

    def wait_idx(b, j):
        pltpu.make_async_copy(comb.at[c, s, j], idx_v[b], isem[b]).wait()

    def start_gather(b):
        pltpu.async_copy(table.at[idx_v[b].at[0]], rows_v[b], gsem[b])

    def wait_gather(b):
        pltpu.make_async_copy(table.at[idx_v[b].at[0]], rows_v[b], gsem[b]).wait()

    def scatter(b):
        pltpu.sync_copy(rows_v[b], acc.at[idx_v[b].at[1]], add=True)

    pltpu.sync_copy(zeros, rows_v[0])
    r = base
    for n in FLUSH:
        pltpu.sync_copy(rows_v[0].at[pl.ds(0, n)], acc.at[pl.ds(r, n)])
        r += n
    plsc.subcore_barrier()

    load_idx(0, 0)
    start_gather(0)
    start_idx(1, 1)

    def pair(j0, carry):
        for b in range(NBUF):
            j = j0 + b
            nb = (b + 1) % NBUF
            wait_gather(b)

            @pl.when(j + 1 < CPS)
            def _():
                wait_idx(nb, j + 1)
                start_gather(nb)

            scatter(b)

            @pl.when(j + 2 < CPS)
            def _():
                start_idx(b, j + 2)

        return carry

    lax.fori_loop(0, CPS // NBUF, lambda q, cr: pair(q * NBUF, cr), 0)
    plsc.subcore_barrier()

    r = base
    for n in FLUSH:
        pltpu.sync_copy(acc.at[pl.ds(r, n)], rows_v[0].at[pl.ds(0, n)])
        pltpu.sync_copy(rows_v[0].at[pl.ds(0, n)], out.at[c, pl.ds(r, n)])
        r += n


def _sc_aggregate(table, comb, zeros):
    mesh = plsc.VectorSubcoreMesh(core_axis_name="c", subcore_axis_name="s")
    fn = pl.kernel(
        _sc_body,
        mesh=mesh,
        out_type=jax.ShapeDtypeStruct((NCORE, N_ACC, D), jnp.float32),
        scratch_types=(
            [pltpu.VMEM((2, CHUNK), jnp.int32) for _ in range(NBUF)]
            + [pltpu.VMEM((CHUNK, D), jnp.float32) for _ in range(NBUF)]
            + [pltpu.VMEM_SHARED((N_ACC, D), jnp.float32)]
            + [pltpu.SemaphoreType.DMA for _ in range(2 * NBUF)]
        ),
    )
    return fn(table, comb, zeros)


def _update_body(a0, a1, x_ref, wrel, wroot, bias, o_ref):
    wr = wroot[0] + wroot[1]
    o_ref[:] = (
        jnp.dot(a0[:], wrel[0], preferred_element_type=jnp.float32)
        + jnp.dot(a1[:], wrel[1], preferred_element_type=jnp.float32)
        + jnp.dot(x_ref[:], wr, preferred_element_type=jnp.float32)
        + (bias[0] + bias[1])[None, :]
    )


def _dense_update(a0, a1, x, W_rel, W_root, bias):
    BR = 400
    return pl.pallas_call(
        _update_body,
        grid=(N // BR,),
        in_specs=[
            pl.BlockSpec((BR, D), lambda i: (i, 0)),
            pl.BlockSpec((BR, D), lambda i: (i, 0)),
            pl.BlockSpec((BR, D), lambda i: (i, 0)),
            pl.BlockSpec((NUM_BASES, D, D), lambda i: (0, 0, 0)),
            pl.BlockSpec((NUM_BASES, D, D), lambda i: (0, 0, 0)),
            pl.BlockSpec((NUM_BASES, D), lambda i: (0, 0)),
        ],
        out_specs=pl.BlockSpec((BR, D), lambda i: (i, 0)),
        out_shape=jax.ShapeDtypeStruct((N, D), jnp.float32),
    )(a0, a1, x, W_rel, W_root, bias)


def kernel(edge_type, x, edge_index, edge_w, W_rel, W_root, bias):
    src = edge_index[0].astype(jnp.int32)
    dst = edge_index[1].astype(jnp.int32)
    et = edge_type.astype(jnp.int32)

    gidx = et * N + src
    gidx2 = jnp.stack([gidx, gidx + NUM_REL * N])
    pad = EPAD - E
    gidx_p = jnp.pad(gidx2, ((0, 0), (0, pad))).reshape(NCORE, NSUB, CPS, 1, CHUNK)
    dst_p = jnp.pad(dst, (0, pad), constant_values=N).reshape(NSUB, CPS, 1, CHUNK)
    dst_p = jnp.broadcast_to(dst_p, (NCORE, NSUB, CPS, 1, CHUNK))
    comb = jnp.concatenate([gidx_p, dst_p], axis=3)

    w_flat = edge_w.reshape(NUM_BASES * NUM_REL)
    table = _build_table(w_flat, x)
    zeros = jnp.zeros((CHUNK, D), jnp.float32)

    aggr = _sc_aggregate(table, comb, zeros)
    a0 = aggr[0, :N]
    a1 = aggr[1, :N]
    return _dense_update(a0, a1, x, W_rel, W_root, bias)

# --- scband reference (transcript-rebuilt; emitter-appended) ---
"""Pipeline reference for scband-hetero-basis-conv-27513560498429 (READ-ONLY COPY).

The authoritative reference and input builder live on the scoring server;
editing this copy changes nothing except your own understanding.
"""

import jax, jax.numpy as jnp
import numpy as np

N = 10000
E = 320000
D = 128
NUM_REL = 8
NUM_BASES = 2


def setup_inputs(seed: int = 0) -> dict:
    key = jax.random.key(seed)
    ks = jax.random.split(key, 7)
    x = jax.random.normal(ks[0], (N, D), dtype=jnp.float32)
    edge_index = jax.random.randint(ks[1], (2, E), 0, N, dtype=jnp.int64)
    edge_type = jax.random.randint(ks[2], (E,), 0, NUM_REL, dtype=jnp.int64)
    # per-basis edge_type_weight (xavier-uniform on shape (1, num_relations))
    bound = float(np.sqrt(6.0 / (1 + NUM_REL)))
    edge_w = jax.random.uniform(ks[3], (NUM_BASES, 1, NUM_REL), dtype=jnp.float32, minval=-bound, maxval=bound)
    # per-basis GraphConv parameters: out = aggr @ W_rel + x @ W_root + bias
    W_rel = jax.random.normal(ks[4], (NUM_BASES, D, D), dtype=jnp.float32) * (1.0 / np.sqrt(D))
    W_root = jax.random.normal(ks[5], (NUM_BASES, D, D), dtype=jnp.float32) * (1.0 / np.sqrt(D))
    bias = jnp.zeros((NUM_BASES, D), dtype=jnp.float32)
    return {"edge_type": edge_type, "x": x, "edge_index": edge_index,
            "edge_w": edge_w, "W_rel": W_rel, "W_root": W_root, "bias": bias}


def reference(edge_type, x, edge_index, edge_w, W_rel, W_root, bias):
    # HeteroBasisConv over a GraphConv base module (aggr='add', fuse=False).
    # For each basis conv: messages x_j are scaled per-edge by
    # edge_type_weight.view(-1)[edge_type] (the registered message hook),
    # then scatter-added into dst nodes, followed by the conv's linear update.
    src = edge_index[0]
    dst = edge_index[1]
    out = None
    for b in range(NUM_BASES):
        msg = jnp.take(x, src, axis=0)                     # gather x_j, [E, D]
        w = jnp.take(edge_w[b].reshape(-1), edge_type)     # [E]
        msg = w[:, None] * msg                             # hook: weight * output
        aggr = jax.ops.segment_sum(msg, dst, num_segments=N)  # scatter-add
        res = aggr @ W_rel[b] + x @ W_root[b] + bias[b]
        out = res if out is None else out + res
    return out

if __name__ == "__main__":
    import jax
    _d = setup_inputs()
    print(jax.jit(kernel)(*tuple(_d.values())))

</pallas_src>

<mosaic_0001>
#map = affine_map<(d0, d1) -> (0, 0)>
#map1 = affine_map<(d0, d1) -> (0, 0, 0, 0, 0)>
#map2 = affine_map<(d0, d1) -> (0, 0, 0)>
module attributes {stable_mosaic.version = 14 : i64} {
  func.func @_sc_body(%arg0: i32, %arg1: i32, %arg2: memref<160000x128xf32, #tpu.memory_space<hbm>>, %arg3: memref<2x16x158x2x128xi32, #tpu.memory_space<hbm>>, %arg4: memref<128x128xf32, #tpu.memory_space<hbm>>, %arg5: memref<2x10112x128xf32, #tpu.memory_space<hbm>>, %arg6: memref<2x128xi32, #tpu.memory_space<vmem>>, %arg7: memref<2x128xi32, #tpu.memory_space<vmem>>, %arg8: memref<128x128xf32, #tpu.memory_space<vmem>>, %arg9: memref<128x128xf32, #tpu.memory_space<vmem>>, %arg10: memref<10112x128xf32, #tpu.memory_space<vmem_shared>>, %arg11: memref<!tpu.dma_semaphore, #tpu.memory_space<semaphore_mem>>, %arg12: memref<!tpu.dma_semaphore, #tpu.memory_space<semaphore_mem>>, %arg13: memref<!tpu.dma_semaphore, #tpu.memory_space<semaphore_mem>>, %arg14: memref<!tpu.dma_semaphore, #tpu.memory_space<semaphore_mem>>) attributes {dimension_semantics = [#tpu.dimension_semantics<core_parallel>, #tpu.dimension_semantics<subcore_parallel>], iteration_bounds = array<i64: 2, 16>, scalar_prefetch = 0 : i64, scratch_operands = 9 : i64, tpu.core_type = #tpu.core_type<sc_vector_subcore>, window_params = [{transform_indices = #map}, {transform_indices = #map1}, {transform_indices = #map}, {transform_indices = #map2}]} {
    %mul3A = arith.constant 632 : i32
    %mul3A_0 = arith.muli %arg1, %mul3A : i32
    "tpu.region"() ({
      %run_scoped3A_41 = tpu.sem_alloc : memref<!tpu.dma_semaphore, #tpu.memory_space<semaphore_mem>>
      tpu.enqueue_dma source(%arg4 : memref<128x128xf32, #tpu.memory_space<hbm>>) target(%arg8 : memref<128x128xf32, #tpu.memory_space<vmem>>) target_semaphore(%run_scoped3A_41 : memref<!tpu.dma_semaphore, #tpu.memory_space<semaphore_mem>>)
      tpu.wait_dma2 semaphore(%run_scoped3A_41 : memref<!tpu.dma_semaphore, #tpu.memory_space<semaphore_mem>>) src(%arg4 : memref<128x128xf32, #tpu.memory_space<hbm>>) dst(%arg8 : memref<128x128xf32, #tpu.memory_space<vmem>>)
      tpu.yield
    }) : () -> ()
    "tpu.region"() ({
      %run_scoped3A_41 = tpu.sem_alloc : memref<!tpu.dma_semaphore, #tpu.memory_space<semaphore_mem>>
      %dma_start3A_42 = arith.constant 0 : i32
      %dma_start3A_43 = arith.constant 0 : i32
      %dma_start3A_44 = tpu.memref_slice %arg8[%dma_start3A_42, %dma_start3A_43] : memref<128x128xf32, #tpu.memory_space<vmem>> -> memref<128x128xf32, #tpu.memory_space<vmem>>
      %dma_start3A_45 = arith.constant 0 : i32
      %dma_start3A_46 = tpu.memref_slice %arg10[%mul3A_0, %dma_start3A_45] : memref<10112x128xf32, #tpu.memory_space<vmem_shared>> -> memref<128x128xf32, #tpu.memory_space<vmem_shared>>
      %dma_start3A_47 = arith.constant 0 : i32
      %dma_start3A_48 = tpu.memref_slice %arg10[%mul3A_0, %dma_start3A_47] : memref<10112x128xf32, #tpu.memory_space<vmem_shared>> -> memref<128x128xf32, #tpu.memory_space<vmem_shared>>
      %dma_start3A_49 = arith.constant 0 : i32
      %dma_start3A_50 = arith.constant 0 : i32
      %dma_start3A_51 = tpu.memref_slice %arg8[%dma_start3A_49, %dma_start3A_50] : memref<128x128xf32, #tpu.memory_space<vmem>> -> memref<128x128xf32, #tpu.memory_space<vmem>>
      tpu.enqueue_dma source(%dma_start3A_51 : memref<128x128xf32, #tpu.memory_space<vmem>>) target(%dma_start3A_48 : memref<128x128xf32, #tpu.memory_space<vmem_shared>>) target_semaphore(%run_scoped3A_41 : memref<!tpu.dma_semaphore, #tpu.memory_space<semaphore_mem>>)
      %dma_wait3A = arith.constant 0 : i32
      %dma_wait3A_52 = arith.constant 0 : i32
      %dma_wait3A_53 = tpu.memref_slice %arg8[%dma_wait3A, %dma_wait3A_52] : memref<128x128xf32, #tpu.memory_space<vmem>> -> memref<128x128xf32, #tpu.memory_space<vmem>>
      %dma_wait3A_54 = arith.constant 0 : i32
      %dma_wait3A_55 = tpu.memref_slice %arg10[%mul3A_0, %dma_wait3A_54] : memref<10112x128xf32, #tpu.memory_space<vmem_shared>> -> memref<128x128xf32, #tpu.memory_space<vmem_shared>>
      %dma_wait3A_56 = arith.constant 0 : i32
      %dma_wait3A_57 = tpu.memref_slice %arg10[%mul3A_0, %dma_wait3A_56] : memref<10112x128xf32, #tpu.memory_space<vmem_shared>> -> memref<128x128xf32, #tpu.memory_space<vmem_shared>>
      %dma_wait3A_58 = arith.constant 0 : i32
      %dma_wait3A_59 = arith.constant 0 : i32
      %dma_wait3A_60 = tpu.memref_slice %arg8[%dma_wait3A_58, %dma_wait3A_59] : memref<128x128xf32, #tpu.memory_space<vmem>> -> memref<128x128xf32, #tpu.memory_space<vmem>>
      tpu.wait_dma2 semaphore(%run_scoped3A_41 : memref<!tpu.dma_semaphore, #tpu.memory_space<semaphore_mem>>) src(%dma_wait3A_60 : memref<128x128xf32, #tpu.memory_space<vmem>>) dst(%dma_wait3A_57 : memref<128x128xf32, #tpu.memory_space<vmem_shared>>)
      tpu.yield
    }) : () -> ()
    %add3A = arith.constant 128 : i32
    %add3A_1 = arith.addi %mul3A_0, %add3A : i32
    "tpu.region"() ({
      %run_scoped3A_41 = tpu.sem_alloc : memref<!tpu.dma_semaphore, #tpu.memory_space<semaphore_mem>>
      %dma_start3A_42 = arith.constant 0 : i32
      %dma_start3A_43 = arith.constant 0 : i32
      %dma_start3A_44 = tpu.memref_slice %arg8[%dma_start3A_42, %dma_start3A_43] : memref<128x128xf32, #tpu.memory_space<vmem>> -> memref<128x128xf32, #tpu.memory_space<vmem>>
      %dma_start3A_45 = arith.constant 0 : i32
      %dma_start3A_46 = tpu.memref_slice %arg10[%add3A_1, %dma_start3A_45] : memref<10112x128xf32, #tpu.memory_space<vmem_shared>> -> memref<128x128xf32, #tpu.memory_space<vmem_shared>>
      %dma_start3A_47 = arith.constant 0 : i32
      %dma_start3A_48 = tpu.memref_slice %arg10[%add3A_1, %dma_start3A_47] : memref<10112x128xf32, #tpu.memory_space<vmem_shared>> -> memref<128x128xf32, #tpu.memory_space<vmem_shared>>
      %dma_start3A_49 = arith.constant 0 : i32
      %dma_start3A_50 = arith.constant 0 : i32
      %dma_start3A_51 = tpu.memref_slice %arg8[%dma_start3A_49, %dma_start3A_50] : memref<128x128xf32, #tpu.memory_space<vmem>> -> memref<128x128xf32, #tpu.memory_space<vmem>>
      tpu.enqueue_dma source(%dma_start3A_51 : memref<128x128xf32, #tpu.memory_space<vmem>>) target(%dma_start3A_48 : memref<128x128xf32, #tpu.memory_space<vmem_shared>>) target_semaphore(%run_scoped3A_41 : memref<!tpu.dma_semaphore, #tpu.memory_space<semaphore_mem>>)
      %dma_wait3A = arith.constant 0 : i32
      %dma_wait3A_52 = arith.constant 0 : i32
      %dma_wait3A_53 = tpu.memref_slice %arg8[%dma_wait3A, %dma_wait3A_52] : memref<128x128xf32, #tpu.memory_space<vmem>> -> memref<128x128xf32, #tpu.memory_space<vmem>>
      %dma_wait3A_54 = arith.constant 0 : i32
      %dma_wait3A_55 = tpu.memref_slice %arg10[%add3A_1, %dma_wait3A_54] : memref<10112x128xf32, #tpu.memory_space<vmem_shared>> -> memref<128x128xf32, #tpu.memory_space<vmem_shared>>
      %dma_wait3A_56 = arith.constant 0 : i32
      %dma_wait3A_57 = tpu.memref_slice %arg10[%add3A_1, %dma_wait3A_56] : memref<10112x128xf32, #tpu.memory_space<vmem_shared>> -> memref<128x128xf32, #tpu.memory_space<vmem_shared>>
      %dma_wait3A_58 = arith.constant 0 : i32
      %dma_wait3A_59 = arith.constant 0 : i32
      %dma_wait3A_60 = tpu.memref_slice %arg8[%dma_wait3A_58, %dma_wait3A_59] : memref<128x128xf32, #tpu.memory_space<vmem>> -> memref<128x128xf32, #tpu.memory_space<vmem>>
      tpu.wait_dma2 semaphore(%run_scoped3A_41 : memref<!tpu.dma_semaphore, #tpu.memory_space<semaphore_mem>>) src(%dma_wait3A_60 : memref<128x128xf32, #tpu.memory_space<vmem>>) dst(%dma_wait3A_57 : memref<128x128xf32, #tpu.memory_space<vmem_shared>>)
      tpu.yield
    }) : () -> ()
    %add3A_2 = arith.constant 128 : i32
    %add3A_3 = arith.addi %add3A_1, %add3A_2 : i32
    "tpu.region"() ({
      %run_scoped3A_41 = tpu.sem_alloc : memref<!tpu.dma_semaphore, #tpu.memory_space<semaphore_mem>>
      %dma_start3A_42 = arith.constant 0 : i32
      %dma_start3A_43 = arith.constant 0 : i32
      %dma_start3A_44 = tpu.memref_slice %arg8[%dma_start3A_42, %dma_start3A_43] : memref<128x128xf32, #tpu.memory_space<vmem>> -> memref<128x128xf32, #tpu.memory_space<vmem>>
      %dma_start3A_45 = arith.constant 0 : i32
      %dma_start3A_46 = tpu.memref_slice %arg10[%add3A_3, %dma_start3A_45] : memref<10112x128xf32, #tpu.memory_space<vmem_shared>> -> memref<128x128xf32, #tpu.memory_space<vmem_shared>>
      %dma_start3A_47 = arith.constant 0 : i32
      %dma_start3A_48 = tpu.memref_slice %arg10[%add3A_3, %dma_start3A_47] : memref<10112x128xf32, #tpu.memory_space<vmem_shared>> -> memref<128x128xf32, #tpu.memory_space<vmem_shared>>
      %dma_start3A_49 = arith.constant 0 : i32
      %dma_start3A_50 = arith.constant 0 : i32
      %dma_start3A_51 = tpu.memref_slice %arg8[%dma_start3A_49, %dma_start3A_50] : memref<128x128xf32, #tpu.memory_space<vmem>> -> memref<128x128xf32, #tpu.memory_space<vmem>>
      tpu.enqueue_dma source(%dma_start3A_51 : memref<128x128xf32, #tpu.memory_space<vmem>>) target(%dma_start3A_48 : memref<128x128xf32, #tpu.memory_space<vmem_shared>>) target_semaphore(%run_scoped3A_41 : memref<!tpu.dma_semaphore, #tpu.memory_space<semaphore_mem>>)
      %dma_wait3A = arith.constant 0 : i32
      %dma_wait3A_52 = arith.constant 0 : i32
      %dma_wait3A_53 = tpu.memref_slice %arg8[%dma_wait3A, %dma_wait3A_52] : memref<128x128xf32, #tpu.memory_space<vmem>> -> memref<128x128xf32, #tpu.memory_space<vmem>>
      %dma_wait3A_54 = arith.constant 0 : i32
      %dma_wait3A_55 = tpu.memref_slice %arg10[%add3A_3, %dma_wait3A_54] : memref<10112x128xf32, #tpu.memory_space<vmem_shared>> -> memref<128x128xf32, #tpu.memory_space<vmem_shared>>
      %dma_wait3A_56 = arith.constant 0 : i32
      %dma_wait3A_57 = tpu.memref_slice %arg10[%add3A_3, %dma_wait3A_56] : memref<10112x128xf32, #tpu.memory_space<vmem_shared>> -> memref<128x128xf32, #tpu.memory_space<vmem_shared>>
      %dma_wait3A_58 = arith.constant 0 : i32
      %dma_wait3A_59 = arith.constant 0 : i32
      %dma_wait3A_60 = tpu.memref_slice %arg8[%dma_wait3A_58, %dma_wait3A_59] : memref<128x128xf32, #tpu.memory_space<vmem>> -> memref<128x128xf32, #tpu.memory_space<vmem>>
      tpu.wait_dma2 semaphore(%run_scoped3A_41 : memref<!tpu.dma_semaphore, #tpu.memory_space<semaphore_mem>>) src(%dma_wait3A_60 : memref<128x128xf32, #tpu.memory_space<vmem>>) dst(%dma_wait3A_57 : memref<128x128xf32, #tpu.memory_space<vmem_shared>>)
      tpu.yield
    }) : () -> ()
    %add3A_4 = arith.constant 128 : i32
    %add3A_5 = arith.addi %add3A_3, %add3A_4 : i32
    "tpu.region"() ({
      %run_scoped3A_41 = tpu.sem_alloc : memref<!tpu.dma_semaphore, #tpu.memory_space<semaphore_mem>>
      %dma_start3A_42 = arith.constant 0 : i32
      %dma_start3A_43 = arith.constant 0 : i32
      %dma_start3A_44 = tpu.memref_slice %arg8[%dma_start3A_42, %dma_start3A_43] : memref<128x128xf32, #tpu.memory_space<vmem>> -> memref<128x128xf32, #tpu.memory_space<vmem>>
      %dma_start3A_45 = arith.constant 0 : i32
      %dma_start3A_46 = tpu.memref_slice %arg10[%add3A_5, %dma_start3A_45] : memref<10112x128xf32, #tpu.memory_space<vmem_shared>> -> memref<128x128xf32, #tpu.memory_space<vmem_shared>>
      %dma_start3A_47 = arith.constant 0 : i32
      %dma_start3A_48 = tpu.memref_slice %arg10[%add3A_5, %dma_start3A_47] : memref<10112x128xf32, #tpu.memory_space<vmem_shared>> -> memref<128x128xf32, #tpu.memory_space<vmem_shared>>
      %dma_start3A_49 = arith.constant 0 : i32
      %dma_start3A_50 = arith.constant 0 : i32
      %dma_start3A_51 = tpu.memref_slice %arg8[%dma_start3A_49, %dma_start3A_50] : memref<128x128xf32, #tpu.memory_space<vmem>> -> memref<128x128xf32, #tpu.memory_space<vmem>>
      tpu.enqueue_dma source(%dma_start3A_51 : memref<128x128xf32, #tpu.memory_space<vmem>>) target(%dma_start3A_48 : memref<128x128xf32, #tpu.memory_space<vmem_shared>>) target_semaphore(%run_scoped3A_41 : memref<!tpu.dma_semaphore, #tpu.memory_space<semaphore_mem>>)
      %dma_wait3A = arith.constant 0 : i32
      %dma_wait3A_52 = arith.constant 0 : i32
      %dma_wait3A_53 = tpu.memref_slice %arg8[%dma_wait3A, %dma_wait3A_52] : memref<128x128xf32, #tpu.memory_space<vmem>> -> memref<128x128xf32, #tpu.memory_space<vmem>>
      %dma_wait3A_54 = arith.constant 0 : i32
      %dma_wait3A_55 = tpu.memref_slice %arg10[%add3A_5, %dma_wait3A_54] : memref<10112x128xf32, #tpu.memory_space<vmem_shared>> -> memref<128x128xf32, #tpu.memory_space<vmem_shared>>
      %dma_wait3A_56 = arith.constant 0 : i32
      %dma_wait3A_57 = tpu.memref_slice %arg10[%add3A_5, %dma_wait3A_56] : memref<10112x128xf32, #tpu.memory_space<vmem_shared>> -> memref<128x128xf32, #tpu.memory_space<vmem_shared>>
      %dma_wait3A_58 = arith.constant 0 : i32
      %dma_wait3A_59 = arith.constant 0 : i32
      %dma_wait3A_60 = tpu.memref_slice %arg8[%dma_wait3A_58, %dma_wait3A_59] : memref<128x128xf32, #tpu.memory_space<vmem>> -> memref<128x128xf32, #tpu.memory_space<vmem>>
      tpu.wait_dma2 semaphore(%run_scoped3A_41 : memref<!tpu.dma_semaphore, #tpu.memory_space<semaphore_mem>>) src(%dma_wait3A_60 : memref<128x128xf32, #tpu.memory_space<vmem>>) dst(%dma_wait3A_57 : memref<128x128xf32, #tpu.memory_space<vmem_shared>>)
      tpu.yield
    }) : () -> ()
    %add3A_6 = arith.constant 128 : i32
    %add3A_7 = arith.addi %add3A_5, %add3A_6 : i32
    "tpu.region"() ({
      %run_scoped3A_41 = tpu.sem_alloc : memref<!tpu.dma_semaphore, #tpu.memory_space<semaphore_mem>>
      %dma_start3A_42 = arith.constant 0 : i32
      %dma_start3A_43 = arith.constant 0 : i32
      %dma_start3A_44 = tpu.memref_slice %arg8[%dma_start3A_42, %dma_start3A_43] : memref<128x128xf32, #tpu.memory_space<vmem>> -> memref<120x128xf32, #tpu.memory_space<vmem>>
      %dma_start3A_45 = arith.constant 0 : i32
      %dma_start3A_46 = tpu.memref_slice %arg10[%add3A_7, %dma_start3A_45] : memref<10112x128xf32, #tpu.memory_space<vmem_shared>> -> memref<120x128xf32, #tpu.memory_space<vmem_shared>>
      %dma_start3A_47 = arith.constant 0 : i32
      %dma_start3A_48 = tpu.memref_slice %arg10[%add3A_7, %dma_start3A_47] : memref<10112x128xf32, #tpu.memory_space<vmem_shared>> -> memref<120x128xf32, #tpu.memory_space<vmem_shared>>
      %dma_start3A_49 = arith.constant 0 : i32
      %dma_start3A_50 = arith.constant 0 : i32
      %dma_start3A_51 = tpu.memref_slice %arg8[%dma_start3A_49, %dma_start3A_50] : memref<128x128xf32, #tpu.memory_space<vmem>> -> memref<120x128xf32, #tpu.memory_space<vmem>>
      tpu.enqueue_dma source(%dma_start3A_51 : memref<120x128xf32, #tpu.memory_space<vmem>>) target(%dma_start3A_48 : memref<120x128xf32, #tpu.memory_space<vmem_shared>>) target_semaphore(%run_scoped3A_41 : memref<!tpu.dma_semaphore, #tpu.memory_space<semaphore_mem>>)
      %dma_wait3A = arith.constant 0 : i32
      %dma_wait3A_52 = arith.constant 0 : i32
      %dma_wait3A_53 = tpu.memref_slice %arg8[%dma_wait3A, %dma_wait3A_52] : memref<128x128xf32, #tpu.memory_space<vmem>> -> memref<120x128xf32, #tpu.memory_space<vmem>>
      %dma_wait3A_54 = arith.constant 0 : i32
      %dma_wait3A_55 = tpu.memref_slice %arg10[%add3A_7, %dma_wait3A_54] : memref<10112x128xf32, #tpu.memory_space<vmem_shared>> -> memref<120x128xf32, #tpu.memory_space<vmem_shared>>
      %dma_wait3A_56 = arith.constant 0 : i32
      %dma_wait3A_57 = tpu.memref_slice %arg10[%add3A_7, %dma_wait3A_56] : memref<10112x128xf32, #tpu.memory_space<vmem_shared>> -> memref<120x128xf32, #tpu.memory_space<vmem_shared>>
      %dma_wait3A_58 = arith.constant 0 : i32
      %dma_wait3A_59 = arith.constant 0 : i32
      %dma_wait3A_60 = tpu.memref_slice %arg8[%dma_wait3A_58, %dma_wait3A_59] : memref<128x128xf32, #tpu.memory_space<vmem>> -> memref<120x128xf32, #tpu.memory_space<vmem>>
      tpu.wait_dma2 semaphore(%run_scoped3A_41 : memref<!tpu.dma_semaphore, #tpu.memory_space<semaphore_mem>>) src(%dma_wait3A_60 : memref<120x128xf32, #tpu.memory_space<vmem>>) dst(%dma_wait3A_57 : memref<120x128xf32, #tpu.memory_space<vmem_shared>>)
      tpu.yield
    }) : () -> ()
    %add3A_8 = arith.constant 120 : i32
    %add3A_9 = arith.addi %add3A_7, %add3A_8 : i32
    %barrier3A = arith.constant 0 : index
    tpu.barrier barrier_id(%barrier3A)
    %run_scoped3A = arith.constant 0 : i32
    "tpu.region"() ({
      %run_scoped3A_41 = tpu.sem_alloc : memref<!tpu.dma_semaphore, #tpu.memory_space<semaphore_mem>>
      %dma_start3A_42 = arith.constant 0 : i32
      %dma_start3A_43 = arith.constant 0 : i32
      %dma_start3A_44 = tpu.memref_slice %arg3[%arg0, %arg1, %run_scoped3A, %dma_start3A_42, %dma_start3A_43] : memref<2x16x158x2x128xi32, #tpu.memory_space<hbm>> -> memref<1x1x1x2x128xi32, #tpu.memory_space<hbm>>
      %dma_start3A_45 = tpu.memref_squeeze %dma_start3A_44 : memref<1x1x1x2x128xi32, #tpu.memory_space<hbm>> -> memref<2x128xi32, #tpu.memory_space<hbm>>
      %dma_start3A_46 = arith.constant 0 : i32
      %dma_start3A_47 = arith.constant 0 : i32
      %dma_start3A_48 = tpu.memref_slice %arg3[%arg0, %arg1, %run_scoped3A, %dma_start3A_46, %dma_start3A_47] : memref<2x16x158x2x128xi32, #tpu.memory_space<hbm>> -> memref<1x1x1x2x128xi32, #tpu.memory_space<hbm>>
      %dma_start3A_49 = tpu.memref_squeeze %dma_start3A_48 : memref<1x1x1x2x128xi32, #tpu.memory_space<hbm>> -> memref<2x128xi32, #tpu.memory_space<hbm>>
      tpu.enqueue_dma source(%dma_start3A_49 : memref<2x128xi32, #tpu.memory_space<hbm>>) target(%arg6 : memref<2x128xi32, #tpu.memory_space<vmem>>) target_semaphore(%run_scoped3A_41 : memref<!tpu.dma_semaphore, #tpu.memory_space<semaphore_mem>>)
      %dma_wait3A = arith.constant 0 : i32
      %dma_wait3A_50 = arith.constant 0 : i32
      %dma_wait3A_51 = tpu.memref_slice %arg3[%arg0, %arg1, %run_scoped3A, %dma_wait3A, %dma_wait3A_50] : memref<2x16x158x2x128xi32, #tpu.memory_space<hbm>> -> memref<1x1x1x2x128xi32, #tpu.memory_space<hbm>>
      %dma_wait3A_52 = tpu.memref_squeeze %dma_wait3A_51 : memref<1x1x1x2x128xi32, #tpu.memory_space<hbm>> -> memref<2x128xi32, #tpu.memory_space<hbm>>
      %dma_wait3A_53 = arith.constant 0 : i32
      %dma_wait3A_54 = arith.constant 0 : i32
      %dma_wait3A_55 = tpu.memref_slice %arg3[%arg0, %arg1, %run_scoped3A, %dma_wait3A_53, %dma_wait3A_54] : memref<2x16x158x2x128xi32, #tpu.memory_space<hbm>> -> memref<1x1x1x2x128xi32, #tpu.memory_space<hbm>>
      %dma_wait3A_56 = tpu.memref_squeeze %dma_wait3A_55 : memref<1x1x1x2x128xi32, #tpu.memory_space<hbm>> -> memref<2x128xi32, #tpu.memory_space<hbm>>
      tpu.wait_dma2 semaphore(%run_scoped3A_41 : memref<!tpu.dma_semaphore, #tpu.memory_space<semaphore_mem>>) src(%dma_wait3A_56 : memref<2x128xi32, #tpu.memory_space<hbm>>) dst(%arg6 : memref<2x128xi32, #tpu.memory_space<vmem>>)
      tpu.yield
    }) : () -> ()
    %dma_start3A = arith.constant 0 : i32
    %dma_start3A_10 = arith.constant 0 : i32
    %dma_start3A_11 = tpu.memref_slice %arg6[%dma_start3A, %dma_start3A_10] : memref<2x128xi32, #tpu.memory_space<vmem>> -> memref<1x128xi32, #tpu.memory_space<vmem>>
    %dma_start3A_12 = tpu.memref_squeeze %dma_start3A_11 : memref<1x128xi32, #tpu.memory_space<vmem>> -> memref<128xi32, #tpu.memory_space<vmem>>
    %dma_start3A_13 = arith.constant 0 : i32
    %dma_start3A_14 = arith.constant 0 : i32
    %dma_start3A_15 = tpu.memref_slice %arg2[%dma_start3A_13, %dma_start3A_14] : memref<160000x128xf32, #tpu.memory_space<hbm>> -> memref<160000x128xf32, #tpu.memory_space<hbm>>
    tpu.enqueue_indirect_dma source(%dma_start3A_15 : memref<160000x128xf32, #tpu.memory_space<hbm>>) target(%arg8 : memref<128x128xf32, #tpu.memory_space<vmem>>) offsets(%dma_start3A_12 : memref<128xi32, #tpu.memory_space<vmem>>) semaphore(%arg11 : memref<!tpu.dma_semaphore, #tpu.memory_space<semaphore_mem>>)
    %dma_start3A_16 = arith.constant 1 : i32
    %dma_start3A_17 = arith.constant 0 : i32
    %dma_start3A_18 = arith.constant 0 : i32
    %dma_start3A_19 = tpu.memref_slice %arg3[%arg0, %arg1, %dma_start3A_16, %dma_start3A_17, %dma_start3A_18] : memref<2x16x158x2x128xi32, #tpu.memory_space<hbm>> -> memref<1x1x1x2x128xi32, #tpu.memory_space<hbm>>
    %dma_start3A_20 = tpu.memref_squeeze %dma_start3A_19 : memref<1x1x1x2x128xi32, #tpu.memory_space<hbm>> -> memref<2x128xi32, #tpu.memory_space<hbm>>
    %dma_start3A_21 = arith.constant 0 : i32
    %dma_start3A_22 = arith.constant 0 : i32
    %dma_start3A_23 = tpu.memref_slice %arg3[%arg0, %arg1, %dma_start3A_16, %dma_start3A_21, %dma_start3A_22] : memref<2x16x158x2x128xi32, #tpu.memory_space<hbm>> -> memref<1x1x1x2x128xi32, #tpu.memory_space<hbm>>
    %dma_start3A_24 = tpu.memref_squeeze %dma_start3A_23 : memref<1x1x1x2x128xi32, #tpu.memory_space<hbm>> -> memref<2x128xi32, #tpu.memory_space<hbm>>
    tpu.enqueue_dma source(%dma_start3A_24 : memref<2x128xi32, #tpu.memory_space<hbm>>) target(%arg7 : memref<2x128xi32, #tpu.memory_space<vmem>>) target_semaphore(%arg14 : memref<!tpu.dma_semaphore, #tpu.memory_space<semaphore_mem>>)
    %scan3A = arith.constant 0 : i32
    %scan3A_25 = arith.constant 0 : i32
    %scan3A_26 = arith.constant 79 : i32
    %scan3A_27 = arith.addi %scan3A_25, %scan3A_26 : i32
    %scan3A_28 = arith.constant 1 : i32
    scf.for %scan3A_41 = %scan3A_25 to %scan3A_27 step %scan3A_28  : i32 {
      %mul3A_42 = arith.constant 2 : i32
      %mul3A_43 = arith.muli %scan3A_41, %mul3A_42 : i32
      %add3A_44 = arith.constant 0 : i32
      %add3A_45 = arith.addi %mul3A_43, %add3A_44 : i32
      %dma_wait3A = arith.constant 0 : i32
      %dma_wait3A_46 = arith.constant 0 : i32
      %dma_wait3A_47 = tpu.memref_slice %arg6[%dma_wait3A, %dma_wait3A_46] : memref<2x128xi32, #tpu.memory_space<vmem>> -> memref<1x128xi32, #tpu.memory_space<vmem>>
      %dma_wait3A_48 = tpu.memref_squeeze %dma_wait3A_47 : memref<1x128xi32, #tpu.memory_space<vmem>> -> memref<128xi32, #tpu.memory_space<vmem>>
      %dma_wait3A_49 = arith.constant 0 : i32
      %dma_wait3A_50 = arith.constant 0 : i32
      %dma_wait3A_51 = tpu.memref_slice %arg2[%dma_wait3A_49, %dma_wait3A_50] : memref<160000x128xf32, #tpu.memory_space<hbm>> -> memref<160000x128xf32, #tpu.memory_space<hbm>>
      tpu.wait_indirect_dma semaphore(%arg11 : memref<!tpu.dma_semaphore, #tpu.memory_space<semaphore_mem>>) src(%dma_wait3A_51 : memref<160000x128xf32, #tpu.memory_space<hbm>>) dst(%arg8 : memref<128x128xf32, #tpu.memory_space<vmem>>)
      %add3A_52 = arith.constant 1 : i32
      %add3A_53 = arith.addi %add3A_45, %add3A_52 : i32
      %lt3A = arith.constant 158 : i32
      %lt3A_54 = arith.cmpi slt, %add3A_53, %lt3A : i32
      %convert_element_type3A = arith.extui %lt3A_54 : i1 to i32
      %cond3A = arith.constant 0 : i32
      %cond3A_55 = arith.cmpi ne, %convert_element_type3A, %cond3A : i32
      scf.if %cond3A_55 {
        %add3A_88 = arith.constant 1 : i32
        %add3A_89 = arith.addi %add3A_45, %add3A_88 : i32
        %dma_wait3A_90 = arith.constant 0 : i32
        %dma_wait3A_91 = arith.constant 0 : i32
        %dma_wait3A_92 = tpu.memref_slice %arg3[%arg0, %arg1, %add3A_89, %dma_wait3A_90, %dma_wait3A_91] : memref<2x16x158x2x128xi32, #tpu.memory_space<hbm>> -> memref<1x1x1x2x128xi32, #tpu.memory_space<hbm>>
        %dma_wait3A_93 = tpu.memref_squeeze %dma_wait3A_92 : memref<1x1x1x2x128xi32, #tpu.memory_space<hbm>> -> memref<2x128xi32, #tpu.memory_space<hbm>>
        %dma_wait3A_94 = arith.constant 0 : i32
        %dma_wait3A_95 = arith.constant 0 : i32
        %dma_wait3A_96 = tpu.memref_slice %arg3[%arg0, %arg1, %add3A_89, %dma_wait3A_94, %dma_wait3A_95] : memref<2x16x158x2x128xi32, #tpu.memory_space<hbm>> -> memref<1x1x1x2x128xi32, #tpu.memory_space<hbm>>
        %dma_wait3A_97 = tpu.memref_squeeze %dma_wait3A_96 : memref<1x1x1x2x128xi32, #tpu.memory_space<hbm>> -> memref<2x128xi32, #tpu.memory_space<hbm>>
        tpu.wait_dma2 semaphore(%arg14 : memref<!tpu.dma_semaphore, #tpu.memory_space<semaphore_mem>>) src(%dma_wait3A_97 : memref<2x128xi32, #tpu.memory_space<hbm>>) dst(%arg7 : memref<2x128xi32, #tpu.memory_space<vmem>>)
        %dma_start3A_98 = arith.constant 0 : i32
        %dma_start3A_99 = arith.constant 0 : i32
        %dma_start3A_100 = tpu.memref_slice %arg7[%dma_start3A_98, %dma_start3A_99] : memref<2x128xi32, #tpu.memory_space<vmem>> -> memref<1x128xi32, #tpu.memory_space<vmem>>
        %dma_start3A_101 = tpu.memref_squeeze %dma_start3A_100 : memref<1x128xi32, #tpu.memory_space<vmem>> -> memref<128xi32, #tpu.memory_space<vmem>>
        %dma_start3A_102 = arith.constant 0 : i32
        %dma_start3A_103 = arith.constant 0 : i32
        %dma_start3A_104 = tpu.memref_slice %arg2[%dma_start3A_102, %dma_start3A_103] : memref<160000x128xf32, #tpu.memory_space<hbm>> -> memref<160000x128xf32, #tpu.memory_space<hbm>>
        tpu.enqueue_indirect_dma source(%dma_start3A_104 : memref<160000x128xf32, #tpu.memory_space<hbm>>) target(%arg9 : memref<128x128xf32, #tpu.memory_space<vmem>>) offsets(%dma_start3A_101 : memref<128xi32, #tpu.memory_space<vmem>>) semaphore(%arg12 : memref<!tpu.dma_semaphore, #tpu.memory_space<semaphore_mem>>)
      } else {
      }
      %run_scoped3A_56 = arith.constant 1 : i32
      "tpu.region"() ({
        %run_scoped3A_88 = tpu.sem_alloc : memref<!tpu.dma_semaphore, #tpu.memory_space<semaphore_mem>>
        %dma_start3A_89 = arith.constant 0 : i32
        %dma_start3A_90 = tpu.memref_slice %arg6[%run_scoped3A_56, %dma_start3A_89] : memref<2x128xi32, #tpu.memory_space<vmem>> -> memref<1x128xi32, #tpu.memory_space<vmem>>
        %dma_start3A_91 = tpu.memref_squeeze %dma_start3A_90 : memref<1x128xi32, #tpu.memory_space<vmem>> -> memref<128xi32, #tpu.memory_space<vmem>>
        %dma_start3A_92 = arith.constant 0 : i32
        %dma_start3A_93 = arith.constant 0 : i32
        %dma_start3A_94 = tpu.memref_slice %arg10[%dma_start3A_92, %dma_start3A_93] : memref<10112x128xf32, #tpu.memory_space<vmem_shared>> -> memref<10112x128xf32, #tpu.memory_space<vmem_shared>>
        tpu.enqueue_indirect_dma source(%arg8 : memref<128x128xf32, #tpu.memory_space<vmem>>) target(%dma_start3A_94 : memref<10112x128xf32, #tpu.memory_space<vmem_shared>>) offsets(%dma_start3A_91 : memref<128xi32, #tpu.memory_space<vmem>>) semaphore(%run_scoped3A_88 : memref<!tpu.dma_semaphore, #tpu.memory_space<semaphore_mem>>) {add = true}
        %dma_wait3A_95 = arith.constant 0 : i32
        %dma_wait3A_96 = tpu.memref_slice %arg6[%run_scoped3A_56, %dma_wait3A_95] : memref<2x128xi32, #tpu.memory_space<vmem>> -> memref<1x128xi32, #tpu.memory_space<vmem>>
        %dma_wait3A_97 = tpu.memref_squeeze %dma_wait3A_96 : memref<1x128xi32, #tpu.memory_space<vmem>> -> memref<128xi32, #tpu.memory_space<vmem>>
        %dma_wait3A_98 = arith.constant 0 : i32
        %dma_wait3A_99 = arith.constant 0 : i32
        %dma_wait3A_100 = tpu.memref_slice %arg10[%dma_wait3A_98, %dma_wait3A_99] : memref<10112x128xf32, #tpu.memory_space<vmem_shared>> -> memref<10112x128xf32, #tpu.memory_space<vmem_shared>>
        tpu.wait_indirect_dma semaphore(%run_scoped3A_88 : memref<!tpu.dma_semaphore, #tpu.memory_space<semaphore_mem>>) src(%arg8 : memref<128x128xf32, #tpu.memory_space<vmem>>) dst(%dma_wait3A_100 : memref<10112x128xf32, #tpu.memory_space<vmem_shared>>)
        tpu.yield
      }) : () -> ()
      %add3A_57 = arith.constant 2 : i32
      %add3A_58 = arith.addi %add3A_45, %add3A_57 : i32
      %lt3A_59 = arith.constant 158 : i32
      %lt3A_60 = arith.cmpi slt, %add3A_58, %lt3A_59 : i32
      %convert_element_type3A_61 = arith.extui %lt3A_60 : i1 to i32
      %cond3A_62 = arith.constant 0 : i32
      %cond3A_63 = arith.cmpi ne, %convert_element_type3A_61, %cond3A_62 : i32
      scf.if %cond3A_63 {
        %add3A_88 = arith.constant 2 : i32
        %add3A_89 = arith.addi %add3A_45, %add3A_88 : i32
        %dma_start3A_90 = arith.constant 0 : i32
        %dma_start3A_91 = arith.constant 0 : i32
        %dma_start3A_92 = tpu.memref_slice %arg3[%arg0, %arg1, %add3A_89, %dma_start3A_90, %dma_start3A_91] : memref<2x16x158x2x128xi32, #tpu.memory_space<hbm>> -> memref<1x1x1x2x128xi32, #tpu.memory_space<hbm>>
        %dma_start3A_93 = tpu.memref_squeeze %dma_start3A_92 : memref<1x1x1x2x128xi32, #tpu.memory_space<hbm>> -> memref<2x128xi32, #tpu.memory_space<hbm>>
        %dma_start3A_94 = arith.constant 0 : i32
        %dma_start3A_95 = arith.constant 0 : i32
        %dma_start3A_96 = tpu.memref_slice %arg3[%arg0, %arg1, %add3A_89, %dma_start3A_94, %dma_start3A_95] : memref<2x16x158x2x128xi32, #tpu.memory_space<hbm>> -> memref<1x1x1x2x128xi32, #tpu.memory_space<hbm>>
        %dma_start3A_97 = tpu.memref_squeeze %dma_start3A_96 : memref<1x1x1x2x128xi32, #tpu.memory_space<hbm>> -> memref<2x128xi32, #tpu.memory_space<hbm>>
        tpu.enqueue_dma source(%dma_start3A_97 : memref<2x128xi32, #tpu.memory_space<hbm>>) target(%arg6 : memref<2x128xi32, #tpu.memory_space<vmem>>) target_semaphore(%arg13 : memref<!tpu.dma_semaphore, #tpu.memory_space<semaphore_mem>>)
      } else {
      }
      %add3A_64 = arith.constant 1 : i32
      %add3A_65 = arith.addi %mul3A_43, %add3A_64 : i32
      %dma_wait3A_66 = arith.constant 0 : i32
      %dma_wait3A_67 = arith.constant 0 : i32
      %dma_wait3A_68 = tpu.memref_slice %arg7[%dma_wait3A_66, %dma_wait3A_67] : memref<2x128xi32, #tpu.memory_space<vmem>> -> memref<1x128xi32, #tpu.memory_space<vmem>>
      %dma_wait3A_69 = tpu.memref_squeeze %dma_wait3A_68 : memref<1x128xi32, #tpu.memory_space<vmem>> -> memref<128xi32, #tpu.memory_space<vmem>>
      %dma_wait3A_70 = arith.constant 0 : i32
      %dma_wait3A_71 = arith.constant 0 : i32
      %dma_wait3A_72 = tpu.memref_slice %arg2[%dma_wait3A_70, %dma_wait3A_71] : memref<160000x128xf32, #tpu.memory_space<hbm>> -> memref<160000x128xf32, #tpu.memory_space<hbm>>
      tpu.wait_indirect_dma semaphore(%arg12 : memref<!tpu.dma_semaphore, #tpu.memory_space<semaphore_mem>>) src(%dma_wait3A_72 : memref<160000x128xf32, #tpu.memory_space<hbm>>) dst(%arg9 : memref<128x128xf32, #tpu.memory_space<vmem>>)
      %add3A_73 = arith.constant 1 : i32
      %add3A_74 = arith.addi %add3A_65, %add3A_73 : i32
      %lt3A_75 = arith.constant 158 : i32
      %lt3A_76 = arith.cmpi slt, %add3A_74, %lt3A_75 : i32
      %convert_element_type3A_77 = arith.extui %lt3A_76 : i1 to i32
      %cond3A_78 = arith.constant 0 : i32
      %cond3A_79 = arith.cmpi ne, %convert_element_type3A_77, %cond3A_78 : i32
      scf.if %cond3A_79 {
        %add3A_88 = arith.constant 1 : i32
        %add3A_89 = arith.addi %add3A_65, %add3A_88 : i32
        %dma_wait3A_90 = arith.constant 0 : i32
        %dma_wait3A_91 = arith.constant 0 : i32
        %dma_wait3A_92 = tpu.memref_slice %arg3[%arg0, %arg1, %add3A_89, %dma_wait3A_90, %dma_wait3A_91] : memref<2x16x158x2x128xi32, #tpu.memory_space<hbm>> -> memref<1x1x1x2x128xi32, #tpu.memory_space<hbm>>
        %dma_wait3A_93 = tpu.memref_squeeze %dma_wait3A_92 : memref<1x1x1x2x128xi32, #tpu.memory_space<hbm>> -> memref<2x128xi32, #tpu.memory_space<hbm>>
        %dma_wait3A_94 = arith.constant 0 : i32
        %dma_wait3A_95 = arith.constant 0 : i32
        %dma_wait3A_96 = tpu.memref_slice %arg3[%arg0, %arg1, %add3A_89, %dma_wait3A_94, %dma_wait3A_95] : memref<2x16x158x2x128xi32, #tpu.memory_space<hbm>> -> memref<1x1x1x2x128xi32, #tpu.memory_space<hbm>>
        %dma_wait3A_97 = tpu.memref_squeeze %dma_wait3A_96 : memref<1x1x1x2x128xi32, #tpu.memory_space<hbm>> -> memref<2x128xi32, #tpu.memory_space<hbm>>
        tpu.wait_dma2 semaphore(%arg13 : memref<!tpu.dma_semaphore, #tpu.memory_space<semaphore_mem>>) src(%dma_wait3A_97 : memref<2x128xi32, #tpu.memory_space<hbm>>) dst(%arg6 : memref<2x128xi32, #tpu.memory_space<vmem>>)
        %dma_start3A_98 = arith.constant 0 : i32
        %dma_start3A_99 = arith.constant 0 : i32
        %dma_start3A_100 = tpu.memref_slice %arg6[%dma_start3A_98, %dma_start3A_99] : memref<2x128xi32, #tpu.memory_space<vmem>> -> memref<1x128xi32, #tpu.memory_space<vmem>>
        %dma_start3A_101 = tpu.memref_squeeze %dma_start3A_100 : memref<1x128xi32, #tpu.memory_space<vmem>> -> memref<128xi32, #tpu.memory_space<vmem>>
        %dma_start3A_102 = arith.constant 0 : i32
        %dma_start3A_103 = arith.constant 0 : i32
        %dma_start3A_104 = tpu.memref_slice %arg2[%dma_start3A_102, %dma_start3A_103] : memref<160000x128xf32, #tpu.memory_space<hbm>> -> memref<160000x128xf32, #tpu.memory_space<hbm>>
        tpu.enqueue_indirect_dma source(%dma_start3A_104 : memref<160000x128xf32, #tpu.memory_space<hbm>>) target(%arg8 : memref<128x128xf32, #tpu.memory_space<vmem>>) offsets(%dma_start3A_101 : memref<128xi32, #tpu.memory_space<vmem>>) semaphore(%arg11 : memref<!tpu.dma_semaphore, #tpu.memory_space<semaphore_mem>>)
      } else {
      }
      %run_scoped3A_80 = arith.constant 1 : i32
      "tpu.region"() ({
        %run_scoped3A_88 = tpu.sem_alloc : memref<!tpu.dma_semaphore, #tpu.memory_space<semaphore_mem>>
        %dma_start3A_89 = arith.constant 0 : i32
        %dma_start3A_90 = tpu.memref_slice %arg7[%run_scoped3A_80, %dma_start3A_89] : memref<2x128xi32, #tpu.memory_space<vmem>> -> memref<1x128xi32, #tpu.memory_space<vmem>>
        %dma_start3A_91 = tpu.memref_squeeze %dma_start3A_90 : memref<1x128xi32, #tpu.memory_space<vmem>> -> memref<128xi32, #tpu.memory_space<vmem>>
        %dma_start3A_92 = arith.constant 0 : i32
        %dma_start3A_93 = arith.constant 0 : i32
        %dma_start3A_94 = tpu.memref_slice %arg10[%dma_start3A_92, %dma_start3A_93] : memref<10112x128xf32, #tpu.memory_space<vmem_shared>> -> memref<10112x128xf32, #tpu.memory_space<vmem_shared>>
        tpu.enqueue_indirect_dma source(%arg9 : memref<128x128xf32, #tpu.memory_space<vmem>>) target(%dma_start3A_94 : memref<10112x128xf32, #tpu.memory_space<vmem_shared>>) offsets(%dma_start3A_91 : memref<128xi32, #tpu.memory_space<vmem>>) semaphore(%run_scoped3A_88 : memref<!tpu.dma_semaphore, #tpu.memory_space<semaphore_mem>>) {add = true}
        %dma_wait3A_95 = arith.constant 0 : i32
        %dma_wait3A_96 = tpu.memref_slice %arg7[%run_scoped3A_80, %dma_wait3A_95] : memref<2x128xi32, #tpu.memory_space<vmem>> -> memref<1x128xi32, #tpu.memory_space<vmem>>
        %dma_wait3A_97 = tpu.memref_squeeze %dma_wait3A_96 : memref<1x128xi32, #tpu.memory_space<vmem>> -> memref<128xi32, #tpu.memory_space<vmem>>
        %dma_wait3A_98 = arith.constant 0 : i32
        %dma_wait3A_99 = arith.constant 0 : i32
        %dma_wait3A_100 = tpu.memref_slice %arg10[%dma_wait3A_98, %dma_wait3A_99] : memref<10112x128xf32, #tpu.memory_space<vmem_shared>> -> memref<10112x128xf32, #tpu.memory_space<vmem_shared>>
        tpu.wait_indirect_dma semaphore(%run_scoped3A_88 : memref<!tpu.dma_semaphore, #tpu.memory_space<semaphore_mem>>) src(%arg9 : memref<128x128xf32, #tpu.memory_space<vmem>>) dst(%dma_wait3A_100 : memref<10112x128xf32, #tpu.memory_space<vmem_shared>>)
        tpu.yield
      }) : () -> ()
      %add3A_81 = arith.constant 2 : i32
      %add3A_82 = arith.addi %add3A_65, %add3A_81 : i32
      %lt3A_83 = arith.constant 158 : i32
      %lt3A_84 = arith.cmpi slt, %add3A_82, %lt3A_83 : i32
      %convert_element_type3A_85 = arith.extui %lt3A_84 : i1 to i32
      %cond3A_86 = arith.constant 0 : i32
      %cond3A_87 = arith.cmpi ne, %convert_element_type3A_85, %cond3A_86 : i32
      scf.if %cond3A_87 {
        %add3A_88 = arith.constant 2 : i32
        %add3A_89 = arith.addi %add3A_65, %add3A_88 : i32
        %dma_start3A_90 = arith.constant 0 : i32
        %dma_start3A_91 = arith.constant 0 : i32
        %dma_start3A_92 = tpu.memref_slice %arg3[%arg0, %arg1, %add3A_89, %dma_start3A_90, %dma_start3A_91] : memref<2x16x158x2x128xi32, #tpu.memory_space<hbm>> -> memref<1x1x1x2x128xi32, #tpu.memory_space<hbm>>
        %dma_start3A_93 = tpu.memref_squeeze %dma_start3A_92 : memref<1x1x1x2x128xi32, #tpu.memory_space<hbm>> -> memref<2x128xi32, #tpu.memory_space<hbm>>
        %dma_start3A_94 = arith.constant 0 : i32
        %dma_start3A_95 = arith.constant 0 : i32
        %dma_start3A_96 = tpu.memref_slice %arg3[%arg0, %arg1, %add3A_89, %dma_start3A_94, %dma_start3A_95] : memref<2x16x158x2x128xi32, #tpu.memory_space<hbm>> -> memref<1x1x1x2x128xi32, #tpu.memory_space<hbm>>
        %dma_start3A_97 = tpu.memref_squeeze %dma_start3A_96 : memref<1x1x1x2x128xi32, #tpu.memory_space<hbm>> -> memref<2x128xi32, #tpu.memory_space<hbm>>
        tpu.enqueue_dma source(%dma_start3A_97 : memref<2x128xi32, #tpu.memory_space<hbm>>) target(%arg7 : memref<2x128xi32, #tpu.memory_space<vmem>>) target_semaphore(%arg14 : memref<!tpu.dma_semaphore, #tpu.memory_space<semaphore_mem>>)
      } else {
      }
    }
    %scan3A_29 = arith.constant 79 : i32
    %barrier3A_30 = arith.constant 0 : index
    tpu.barrier barrier_id(%barrier3A_30)
    "tpu.region"() ({
      %run_scoped3A_41 = tpu.sem_alloc : memref<!tpu.dma_semaphore, #tpu.memory_space<semaphore_mem>>
      %dma_start3A_42 = arith.constant 0 : i32
      %dma_start3A_43 = arith.constant 0 : i32
      %dma_start3A_44 = tpu.memref_slice %arg8[%dma_start3A_42, %dma_start3A_43] : memref<128x128xf32, #tpu.memory_space<vmem>> -> memref<128x128xf32, #tpu.memory_space<vmem>>
      %dma_start3A_45 = arith.constant 0 : i32
      %dma_start3A_46 = tpu.memref_slice %arg10[%mul3A_0, %dma_start3A_45] : memref<10112x128xf32, #tpu.memory_space<vmem_shared>> -> memref<128x128xf32, #tpu.memory_space<vmem_shared>>
      %dma_start3A_47 = arith.constant 0 : i32
      %dma_start3A_48 = arith.constant 0 : i32
      %dma_start3A_49 = tpu.memref_slice %arg8[%dma_start3A_47, %dma_start3A_48] : memref<128x128xf32, #tpu.memory_space<vmem>> -> memref<128x128xf32, #tpu.memory_space<vmem>>
      %dma_start3A_50 = arith.constant 0 : i32
      %dma_start3A_51 = tpu.memref_slice %arg10[%mul3A_0, %dma_start3A_50] : memref<10112x128xf32, #tpu.memory_space<vmem_shared>> -> memref<128x128xf32, #tpu.memory_space<vmem_shared>>
      tpu.enqueue_dma source(%dma_start3A_51 : memref<128x128xf32, #tpu.memory_space<vmem_shared>>) target(%dma_start3A_49 : memref<128x128xf32, #tpu.memory_space<vmem>>) target_semaphore(%run_scoped3A_41 : memref<!tpu.dma_semaphore, #tpu.memory_space<semaphore_mem>>)
      %dma_wait3A = arith.constant 0 : i32
      %dma_wait3A_52 = arith.constant 0 : i32
      %dma_wait3A_53 = tpu.memref_slice %arg8[%dma_wait3A, %dma_wait3A_52] : memref<128x128xf32, #tpu.memory_space<vmem>> -> memref<128x128xf32, #tpu.memory_space<vmem>>
      %dma_wait3A_54 = arith.constant 0 : i32
      %dma_wait3A_55 = tpu.memref_slice %arg10[%mul3A_0, %dma_wait3A_54] : memref<10112x128xf32, #tpu.memory_space<vmem_shared>> -> memref<128x128xf32, #tpu.memory_space<vmem_shared>>
      %dma_wait3A_56 = arith.constant 0 : i32
      %dma_wait3A_57 = arith.constant 0 : i32
      %dma_wait3A_58 = tpu.memref_slice %arg8[%dma_wait3A_56, %dma_wait3A_57] : memref<128x128xf32, #tpu.memory_space<vmem>> -> memref<128x128xf32, #tpu.memory_space<vmem>>
      %dma_wait3A_59 = arith.constant 0 : i32
      %dma_wait3A_60 = tpu.memref_slice %arg10[%mul3A_0, %dma_wait3A_59] : memref<10112x128xf32, #tpu.memory_space<vmem_shared>> -> memref<128x128xf32, #tpu.memory_space<vmem_shared>>
      tpu.wait_dma2 semaphore(%run_scoped3A_41 : memref<!tpu.dma_semaphore, #tpu.memory_space<semaphore_mem>>) src(%dma_wait3A_60 : memref<128x128xf32, #tpu.memory_space<vmem_shared>>) dst(%dma_wait3A_58 : memref<128x128xf32, #tpu.memory_space<vmem>>)
      tpu.yield
    }) : () -> ()
    "tpu.region"() ({
      %run_scoped3A_41 = tpu.sem_alloc : memref<!tpu.dma_semaphore, #tpu.memory_space<semaphore_mem>>
      %dma_start3A_42 = arith.constant 0 : i32
      %dma_start3A_43 = arith.constant 0 : i32
      %dma_start3A_44 = tpu.memref_slice %arg8[%dma_start3A_42, %dma_start3A_43] : memref<128x128xf32, #tpu.memory_space<vmem>> -> memref<128x128xf32, #tpu.memory_space<vmem>>
      %dma_start3A_45 = arith.constant 0 : i32
      %dma_start3A_46 = tpu.memref_slice %arg5[%arg0, %mul3A_0, %dma_start3A_45] : memref<2x10112x128xf32, #tpu.memory_space<hbm>> -> memref<1x128x128xf32, #tpu.memory_space<hbm>>
      %dma_start3A_47 = tpu.memref_squeeze %dma_start3A_46 : memref<1x128x128xf32, #tpu.memory_space<hbm>> -> memref<128x128xf32, #tpu.memory_space<hbm>>
      %dma_start3A_48 = arith.constant 0 : i32
      %dma_start3A_49 = tpu.memref_slice %arg5[%arg0, %mul3A_0, %dma_start3A_48] : memref<2x10112x128xf32, #tpu.memory_space<hbm>> -> memref<1x128x128xf32, #tpu.memory_space<hbm>>
      %dma_start3A_50 = tpu.memref_squeeze %dma_start3A_49 : memref<1x128x128xf32, #tpu.memory_space<hbm>> -> memref<128x128xf32, #tpu.memory_space<hbm>>
      %dma_start3A_51 = arith.constant 0 : i32
      %dma_start3A_52 = arith.constant 0 : i32
      %dma_start3A_53 = tpu.memref_slice %arg8[%dma_start3A_51, %dma_start3A_52] : memref<128x128xf32, #tpu.memory_space<vmem>> -> memref<128x128xf32, #tpu.memory_space<vmem>>
      tpu.enqueue_dma source(%dma_start3A_53 : memref<128x128xf32, #tpu.memory_space<vmem>>) target(%dma_start3A_50 : memref<128x128xf32, #tpu.memory_space<hbm>>) target_semaphore(%run_scoped3A_41 : memref<!tpu.dma_semaphore, #tpu.memory_space<semaphore_mem>>)
      %dma_wait3A = arith.constant 0 : i32
      %dma_wait3A_54 = arith.constant 0 : i32
      %dma_wait3A_55 = tpu.memref_slice %arg8[%dma_wait3A, %dma_wait3A_54] : memref<128x128xf32, #tpu.memory_space<vmem>> -> memref<128x128xf32, #tpu.memory_space<vmem>>
      %dma_wait3A_56 = arith.constant 0 : i32
      %dma_wait3A_57 = tpu.memref_slice %arg5[%arg0, %mul3A_0, %dma_wait3A_56] : memref<2x10112x128xf32, #tpu.memory_space<hbm>> -> memref<1x128x128xf32, #tpu.memory_space<hbm>>
      %dma_wait3A_58 = tpu.memref_squeeze %dma_wait3A_57 : memref<1x128x128xf32, #tpu.memory_space<hbm>> -> memref<128x128xf32, #tpu.memory_space<hbm>>
      %dma_wait3A_59 = arith.constant 0 : i32
      %dma_wait3A_60 = tpu.memref_slice %arg5[%arg0, %mul3A_0, %dma_wait3A_59] : memref<2x10112x128xf32, #tpu.memory_space<hbm>> -> memref<1x128x128xf32, #tpu.memory_space<hbm>>
      %dma_wait3A_61 = tpu.memref_squeeze %dma_wait3A_60 : memref<1x128x128xf32, #tpu.memory_space<hbm>> -> memref<128x128xf32, #tpu.memory_space<hbm>>
      %dma_wait3A_62 = arith.constant 0 : i32
      %dma_wait3A_63 = arith.constant 0 : i32
      %dma_wait3A_64 = tpu.memref_slice %arg8[%dma_wait3A_62, %dma_wait3A_63] : memref<128x128xf32, #tpu.memory_space<vmem>> -> memref<128x128xf32, #tpu.memory_space<vmem>>
      tpu.wait_dma2 semaphore(%run_scoped3A_41 : memref<!tpu.dma_semaphore, #tpu.memory_space<semaphore_mem>>) src(%dma_wait3A_64 : memref<128x128xf32, #tpu.memory_space<vmem>>) dst(%dma_wait3A_61 : memref<128x128xf32, #tpu.memory_space<hbm>>)
      tpu.yield
    }) : () -> ()
    %add3A_31 = arith.constant 128 : i32
    %add3A_32 = arith.addi %mul3A_0, %add3A_31 : i32
    "tpu.region"() ({
      %run_scoped3A_41 = tpu.sem_alloc : memref<!tpu.dma_semaphore, #tpu.memory_space<semaphore_mem>>
      %dma_start3A_42 = arith.constant 0 : i32
      %dma_start3A_43 = arith.constant 0 : i32
      %dma_start3A_44 = tpu.memref_slice %arg8[%dma_start3A_42, %dma_start3A_43] : memref<128x128xf32, #tpu.memory_space<vmem>> -> memref<128x128xf32, #tpu.memory_space<vmem>>
      %dma_start3A_45 = arith.constant 0 : i32
      %dma_start3A_46 = tpu.memref_slice %arg10[%add3A_32, %dma_start3A_45] : memref<10112x128xf32, #tpu.memory_space<vmem_shared>> -> memref<128x128xf32, #tpu.memory_space<vmem_shared>>
      %dma_start3A_47 = arith.constant 0 : i32
      %dma_start3A_48 = arith.constant 0 : i32
      %dma_start3A_49 = tpu.memref_slice %arg8[%dma_start3A_47, %dma_start3A_48] : memref<128x128xf32, #tpu.memory_space<vmem>> -> memref<128x128xf32, #tpu.memory_space<vmem>>
      %dma_start3A_50 = arith.constant 0 : i32
      %dma_start3A_51 = tpu.memref_slice %arg10[%add3A_32, %dma_start3A_50] : memref<10112x128xf32, #tpu.memory_space<vmem_shared>> -> memref<128x128xf32, #tpu.memory_space<vmem_shared>>
      tpu.enqueue_dma source(%dma_start3A_51 : memref<128x128xf32, #tpu.memory_space<vmem_shared>>) target(%dma_start3A_49 : memref<128x128xf32, #tpu.memory_space<vmem>>) target_semaphore(%run_scoped3A_41 : memref<!tpu.dma_semaphore, #tpu.memory_space<semaphore_mem>>)
      %dma_wait3A = arith.constant 0 : i32
      %dma_wait3A_52 = arith.constant 0 : i32
      %dma_wait3A_53 = tpu.memref_slice %arg8[%dma_wait3A, %dma_wait3A_52] : memref<128x128xf32, #tpu.memory_space<vmem>> -> memref<128x128xf32, #tpu.memory_space<vmem>>
      %dma_wait3A_54 = arith.constant 0 : i32
      %dma_wait3A_55 = tpu.memref_slice %arg10[%add3A_32, %dma_wait3A_54] : memref<10112x128xf32, #tpu.memory_space<vmem_shared>> -> memref<128x128xf32, #tpu.memory_space<vmem_shared>>
      %dma_wait3A_56 = arith.constant 0 : i32
      %dma_wait3A_57 = arith.constant 0 : i32
      %dma_wait3A_58 = tpu.memref_slice %arg8[%dma_wait3A_56, %dma_wait3A_57] : memref<128x128xf32, #tpu.memory_space<vmem>> -> memref<128x128xf32, #tpu.memory_space<vmem>>
      %dma_wait3A_59 = arith.constant 0 : i32
      %dma_wait3A_60 = tpu.memref_slice %arg10[%add3A_32, %dma_wait3A_59] : memref<10112x128xf32, #tpu.memory_space<vmem_shared>> -> memref<128x128xf32, #tpu.memory_space<vmem_shared>>
      tpu.wait_dma2 semaphore(%run_scoped3A_41 : memref<!tpu.dma_semaphore, #tpu.memory_space<semaphore_mem>>) src(%dma_wait3A_60 : memref<128x128xf32, #tpu.memory_space<vmem_shared>>) dst(%dma_wait3A_58 : memref<128x128xf32, #tpu.memory_space<vmem>>)
      tpu.yield
    }) : () -> ()
    "tpu.region"() ({
      %run_scoped3A_41 = tpu.sem_alloc : memref<!tpu.dma_semaphore, #tpu.memory_space<semaphore_mem>>
      %dma_start3A_42 = arith.constant 0 : i32
      %dma_start3A_43 = arith.constant 0 : i32
      %dma_start3A_44 = tpu.memref_slice %arg8[%dma_start3A_42, %dma_start3A_43] : memref<128x128xf32, #tpu.memory_space<vmem>> -> memref<128x128xf32, #tpu.memory_space<vmem>>
      %dma_start3A_45 = arith.constant 0 : i32
      %dma_start3A_46 = tpu.memref_slice %arg5[%arg0, %add3A_32, %dma_start3A_45] : memref<2x10112x128xf32, #tpu.memory_space<hbm>> -> memref<1x128x128xf32, #tpu.memory_space<hbm>>
      %dma_start3A_47 = tpu.memref_squeeze %dma_start3A_46 : memref<1x128x128xf32, #tpu.memory_space<hbm>> -> memref<128x128xf32, #tpu.memory_space<hbm>>
      %dma_start3A_48 = arith.constant 0 : i32
      %dma_start3A_49 = tpu.memref_slice %arg5[%arg0, %add3A_32, %dma_start3A_48] : memref<2x10112x128xf32, #tpu.memory_space<hbm>> -> memref<1x128x128xf32, #tpu.memory_space<hbm>>
      %dma_start3A_50 = tpu.memref_squeeze %dma_start3A_49 : memref<1x128x128xf32, #tpu.memory_space<hbm>> -> memref<128x128xf32, #tpu.memory_space<hbm>>
      %dma_start3A_51 = arith.constant 0 : i32
      %dma_start3A_52 = arith.constant 0 : i32
      %dma_start3A_53 = tpu.memref_slice %arg8[%dma_start3A_51, %dma_start3A_52] : memref<128x128xf32, #tpu.memory_space<vmem>> -> memref<128x128xf32, #tpu.memory_space<vmem>>
      tpu.enqueue_dma source(%dma_start3A_53 : memref<128x128xf32, #tpu.memory_space<vmem>>) target(%dma_start3A_50 : memref<128x128xf32, #tpu.memory_space<hbm>>) target_semaphore(%run_scoped3A_41 : memref<!tpu.dma_semaphore, #tpu.memory_space<semaphore_mem>>)
      %dma_wait3A = arith.constant 0 : i32
      %dma_wait3A_54 = arith.constant 0 : i32
      %dma_wait3A_55 = tpu.memref_slice %arg8[%dma_wait3A, %dma_wait3A_54] : memref<128x128xf32, #tpu.memory_space<vmem>> -> memref<128x128xf32, #tpu.memory_space<vmem>>
      %dma_wait3A_56 = arith.constant 0 : i32
      %dma_wait3A_57 = tpu.memref_slice %arg5[%arg0, %add3A_32, %dma_wait3A_56] : memref<2x10112x128xf32, #tpu.memory_space<hbm>> -> memref<1x128x128xf32, #tpu.memory_space<hbm>>
      %dma_wait3A_58 = tpu.memref_squeeze %dma_wait3A_57 : memref<1x128x128xf32, #tpu.memory_space<hbm>> -> memref<128x128xf32, #tpu.memory_space<hbm>>
      %dma_wait3A_59 = arith.constant 0 : i32
      %dma_wait3A_60 = tpu.memref_slice %arg5[%arg0, %add3A_32, %dma_wait3A_59] : memref<2x10112x128xf32, #tpu.memory_space<hbm>> -> memref<1x128x128xf32, #tpu.memory_space<hbm>>
      %dma_wait3A_61 = tpu.memref_squeeze %dma_wait3A_60 : memref<1x128x128xf32, #tpu.memory_space<hbm>> -> memref<128x128xf32, #tpu.memory_space<hbm>>
      %dma_wait3A_62 = arith.constant 0 : i32
      %dma_wait3A_63 = arith.constant 0 : i32
      %dma_wait3A_64 = tpu.memref_slice %arg8[%dma_wait3A_62, %dma_wait3A_63] : memref<128x128xf32, #tpu.memory_space<vmem>> -> memref<128x128xf32, #tpu.memory_space<vmem>>
      tpu.wait_dma2 semaphore(%run_scoped3A_41 : memref<!tpu.dma_semaphore, #tpu.memory_space<semaphore_mem>>) src(%dma_wait3A_64 : memref<128x128xf32, #tpu.memory_space<vmem>>) dst(%dma_wait3A_61 : memref<128x128xf32, #tpu.memory_space<hbm>>)
      tpu.yield
    }) : () -> ()
    %add3A_33 = arith.constant 128 : i32
    %add3A_34 = arith.addi %add3A_32, %add3A_33 : i32
    "tpu.region"() ({
      %run_scoped3A_41 = tpu.sem_alloc : memref<!tpu.dma_semaphore, #tpu.memory_space<semaphore_mem>>
      %dma_start3A_42 = arith.constant 0 : i32
      %dma_start3A_43 = arith.constant 0 : i32
      %dma_start3A_44 = tpu.memref_slice %arg8[%dma_start3A_42, %dma_start3A_43] : memref<128x128xf32, #tpu.memory_space<vmem>> -> memref<128x128xf32, #tpu.memory_space<vmem>>
      %dma_start3A_45 = arith.constant 0 : i32
      %dma_start3A_46 = tpu.memref_slice %arg10[%add3A_34, %dma_start3A_45] : memref<10112x128xf32, #tpu.memory_space<vmem_shared>> -> memref<128x128xf32, #tpu.memory_space<vmem_shared>>
      %dma_start3A_47 = arith.constant 0 : i32
      %dma_start3A_48 = arith.constant 0 : i32
      %dma_start3A_49 = tpu.memref_slice %arg8[%dma_start3A_47, %dma_start3A_48] : memref<128x128xf32, #tpu.memory_space<vmem>> -> memref<128x128xf32, #tpu.memory_space<vmem>>
      %dma_start3A_50 = arith.constant 0 : i32
      %dma_start3A_51 = tpu.memref_slice %arg10[%add3A_34, %dma_start3A_50] : memref<10112x128xf32, #tpu.memory_space<vmem_shared>> -> memref<128x128xf32, #tpu.memory_space<vmem_shared>>
      tpu.enqueue_dma source(%dma_start3A_51 : memref<128x128xf32, #tpu.memory_space<vmem_shared>>) target(%dma_start3A_49 : memref<128x128xf32, #tpu.memory_space<vmem>>) target_semaphore(%run_scoped3A_41 : memref<!tpu.dma_semaphore, #tpu.memory_space<semaphore_mem>>)
      %dma_wait3A = arith.constant 0 : i32
      %dma_wait3A_52 = arith.constant 0 : i32
      %dma_wait3A_53 = tpu.memref_slice %arg8[%dma_wait3A, %dma_wait3A_52] : memref<128x128xf32, #tpu.memory_space<vmem>> -> memref<128x128xf32, #tpu.memory_space<vmem>>
      %dma_wait3A_54 = arith.constant 0 : i32
      %dma_wait3A_55 = tpu.memref_slice %arg10[%add3A_34, %dma_wait3A_54] : memref<10112x128xf32, #tpu.memory_space<vmem_shared>> -> memref<128x128xf32, #tpu.memory_space<vmem_shared>>
      %dma_wait3A_56 = arith.constant 0 : i32
      %dma_wait3A_57 = arith.constant 0 : i32
      %dma_wait3A_58 = tpu.memref_slice %arg8[%dma_wait3A_56, %dma_wait3A_57] : memref<128x128xf32, #tpu.memory_space<vmem>> -> memref<128x128xf32, #tpu.memory_space<vmem>>
      %dma_wait3A_59 = arith.constant 0 : i32
      %dma_wait3A_60 = tpu.memref_slice %arg10[%add3A_34, %dma_wait3A_59] : memref<10112x128xf32, #tpu.memory_space<vmem_shared>> -> memref<128x128xf32, #tpu.memory_space<vmem_shared>>
      tpu.wait_dma2 semaphore(%run_scoped3A_41 : memref<!tpu.dma_semaphore, #tpu.memory_space<semaphore_mem>>) src(%dma_wait3A_60 : memref<128x128xf32, #tpu.memory_space<vmem_shared>>) dst(%dma_wait3A_58 : memref<128x128xf32, #tpu.memory_space<vmem>>)
      tpu.yield
    }) : () -> ()
    "tpu.region"() ({
      %run_scoped3A_41 = tpu.sem_alloc : memref<!tpu.dma_semaphore, #tpu.memory_space<semaphore_mem>>
      %dma_start3A_42 = arith.constant 0 : i32
      %dma_start3A_43 = arith.constant 0 : i32
      %dma_start3A_44 = tpu.memref_slice %arg8[%dma_start3A_42, %dma_start3A_43] : memref<128x128xf32, #tpu.memory_space<vmem>> -> memref<128x128xf32, #tpu.memory_space<vmem>>
      %dma_start3A_45 = arith.constant 0 : i32
      %dma_start3A_46 = tpu.memref_slice %arg5[%arg0, %add3A_34, %dma_start3A_45] : memref<2x10112x128xf32, #tpu.memory_space<hbm>> -> memref<1x128x128xf32, #tpu.memory_space<hbm>>
      %dma_start3A_47 = tpu.memref_squeeze %dma_start3A_46 : memref<1x128x128xf32, #tpu.memory_space<hbm>> -> memref<128x128xf32, #tpu.memory_space<hbm>>
      %dma_start3A_48 = arith.constant 0 : i32
      %dma_start3A_49 = tpu.memref_slice %arg5[%arg0, %add3A_34, %dma_start3A_48] : memref<2x10112x128xf32, #tpu.memory_space<hbm>> -> memref<1x128x128xf32, #tpu.memory_space<hbm>>
      %dma_start3A_50 = tpu.memref_squeeze %dma_start3A_49 : memref<1x128x128xf32, #tpu.memory_space<hbm>> -> memref<128x128xf32, #tpu.memory_space<hbm>>
      %dma_start3A_51 = arith.constant 0 : i32
      %dma_start3A_52 = arith.constant 0 : i32
      %dma_start3A_53 = tpu.memref_slice %arg8[%dma_start3A_51, %dma_start3A_52] : memref<128x128xf32, #tpu.memory_space<vmem>> -> memref<128x128xf32, #tpu.memory_space<vmem>>
      tpu.enqueue_dma source(%dma_start3A_53 : memref<128x128xf32, #tpu.memory_space<vmem>>) target(%dma_start3A_50 : memref<128x128xf32, #tpu.memory_space<hbm>>) target_semaphore(%run_scoped3A_41 : memref<!tpu.dma_semaphore, #tpu.memory_space<semaphore_mem>>)
      %dma_wait3A = arith.constant 0 : i32
      %dma_wait3A_54 = arith.constant 0 : i32
      %dma_wait3A_55 = tpu.memref_slice %arg8[%dma_wait3A, %dma_wait3A_54] : memref<128x128xf32, #tpu.memory_space<vmem>> -> memref<128x128xf32, #tpu.memory_space<vmem>>
      %dma_wait3A_56 = arith.constant 0 : i32
      %dma_wait3A_57 = tpu.memref_slice %arg5[%arg0, %add3A_34, %dma_wait3A_56] : memref<2x10112x128xf32, #tpu.memory_space<hbm>> -> memref<1x128x128xf32, #tpu.memory_space<hbm>>
      %dma_wait3A_58 = tpu.memref_squeeze %dma_wait3A_57 : memref<1x128x128xf32, #tpu.memory_space<hbm>> -> memref<128x128xf32, #tpu.memory_space<hbm>>
      %dma_wait3A_59 = arith.constant 0 : i32
      %dma_wait3A_60 = tpu.memref_slice %arg5[%arg0, %add3A_34, %dma_wait3A_59] : memref<2x10112x128xf32, #tpu.memory_space<hbm>> -> memref<1x128x128xf32, #tpu.memory_space<hbm>>
      %dma_wait3A_61 = tpu.memref_squeeze %dma_wait3A_60 : memref<1x128x128xf32, #tpu.memory_space<hbm>> -> memref<128x128xf32, #tpu.memory_space<hbm>>
      %dma_wait3A_62 = arith.constant 0 : i32
      %dma_wait3A_63 = arith.constant 0 : i32
      %dma_wait3A_64 = tpu.memref_slice %arg8[%dma_wait3A_62, %dma_wait3A_63] : memref<128x128xf32, #tpu.memory_space<vmem>> -> memref<128x128xf32, #tpu.memory_space<vmem>>
      tpu.wait_dma2 semaphore(%run_scoped3A_41 : memref<!tpu.dma_semaphore, #tpu.memory_space<semaphore_mem>>) src(%dma_wait3A_64 : memref<128x128xf32, #tpu.memory_space<vmem>>) dst(%dma_wait3A_61 : memref<128x128xf32, #tpu.memory_space<hbm>>)
      tpu.yield
    }) : () -> ()
    %add3A_35 = arith.constant 128 : i32
    %add3A_36 = arith.addi %add3A_34, %add3A_35 : i32
    "tpu.region"() ({
      %run_scoped3A_41 = tpu.sem_alloc : memref<!tpu.dma_semaphore, #tpu.memory_space<semaphore_mem>>
      %dma_start3A_42 = arith.constant 0 : i32
      %dma_start3A_43 = arith.constant 0 : i32
      %dma_start3A_44 = tpu.memref_slice %arg8[%dma_start3A_42, %dma_start3A_43] : memref<128x128xf32, #tpu.memory_space<vmem>> -> memref<128x128xf32, #tpu.memory_space<vmem>>
      %dma_start3A_45 = arith.constant 0 : i32
      %dma_start3A_46 = tpu.memref_slice %arg10[%add3A_36, %dma_start3A_45] : memref<10112x128xf32, #tpu.memory_space<vmem_shared>> -> memref<128x128xf32, #tpu.memory_space<vmem_shared>>
      %dma_start3A_47 = arith.constant 0 : i32
      %dma_start3A_48 = arith.constant 0 : i32
      %dma_start3A_49 = tpu.memref_slice %arg8[%dma_start3A_47, %dma_start3A_48] : memref<128x128xf32, #tpu.memory_space<vmem>> -> memref<128x128xf32, #tpu.memory_space<vmem>>
      %dma_start3A_50 = arith.constant 0 : i32
      %dma_start3A_51 = tpu.memref_slice %arg10[%add3A_36, %dma_start3A_50] : memref<10112x128xf32, #tpu.memory_space<vmem_shared>> -> memref<128x128xf32, #tpu.memory_space<vmem_shared>>
      tpu.enqueue_dma source(%dma_start3A_51 : memref<128x128xf32, #tpu.memory_space<vmem_shared>>) target(%dma_start3A_49 : memref<128x128xf32, #tpu.memory_space<vmem>>) target_semaphore(%run_scoped3A_41 : memref<!tpu.dma_semaphore, #tpu.memory_space<semaphore_mem>>)
      %dma_wait3A = arith.constant 0 : i32
      %dma_wait3A_52 = arith.constant 0 : i32
      %dma_wait3A_53 = tpu.memref_slice %arg8[%dma_wait3A, %dma_wait3A_52] : memref<128x128xf32, #tpu.memory_space<vmem>> -> memref<128x128xf32, #tpu.memory_space<vmem>>
      %dma_wait3A_54 = arith.constant 0 : i32
      %dma_wait3A_55 = tpu.memref_slice %arg10[%add3A_36, %dma_wait3A_54] : memref<10112x128xf32, #tpu.memory_space<vmem_shared>> -> memref<128x128xf32, #tpu.memory_space<vmem_shared>>
      %dma_wait3A_56 = arith.constant 0 : i32
      %dma_wait3A_57 = arith.constant 0 : i32
      %dma_wait3A_58 = tpu.memref_slice %arg8[%dma_wait3A_56, %dma_wait3A_57] : memref<128x128xf32, #tpu.memory_space<vmem>> -> memref<128x128xf32, #tpu.memory_space<vmem>>
      %dma_wait3A_59 = arith.constant 0 : i32
      %dma_wait3A_60 = tpu.memref_slice %arg10[%add3A_36, %dma_wait3A_59] : memref<10112x128xf32, #tpu.memory_space<vmem_shared>> -> memref<128x128xf32, #tpu.memory_space<vmem_shared>>
      tpu.wait_dma2 semaphore(%run_scoped3A_41 : memref<!tpu.dma_semaphore, #tpu.memory_space<semaphore_mem>>) src(%dma_wait3A_60 : memref<128x128xf32, #tpu.memory_space<vmem_shared>>) dst(%dma_wait3A_58 : memref<128x128xf32, #tpu.memory_space<vmem>>)
      tpu.yield
    }) : () -> ()
    "tpu.region"() ({
      %run_scoped3A_41 = tpu.sem_alloc : memref<!tpu.dma_semaphore, #tpu.memory_space<semaphore_mem>>
      %dma_start3A_42 = arith.constant 0 : i32
      %dma_start3A_43 = arith.constant 0 : i32
      %dma_start3A_44 = tpu.memref_slice %arg8[%dma_start3A_42, %dma_start3A_43] : memref<128x128xf32, #tpu.memory_space<vmem>> -> memref<128x128xf32, #tpu.memory_space<vmem>>
      %dma_start3A_45 = arith.constant 0 : i32
      %dma_start3A_46 = tpu.memref_slice %arg5[%arg0, %add3A_36, %dma_start3A_45] : memref<2x10112x128xf32, #tpu.memory_space<hbm>> -> memref<1x128x128xf32, #tpu.memory_space<hbm>>
      %dma_start3A_47 = tpu.memref_squeeze %dma_start3A_46 : memref<1x128x128xf32, #tpu.memory_space<hbm>> -> memref<128x128xf32, #tpu.memory_space<hbm>>
      %dma_start3A_48 = arith.constant 0 : i32
      %dma_start3A_49 = tpu.memref_slice %arg5[%arg0, %add3A_36, %dma_start3A_48] : memref<2x10112x128xf32, #tpu.memory_space<hbm>> -> memref<1x128x128xf32, #tpu.memory_space<hbm>>
      %dma_start3A_50 = tpu.memref_squeeze %dma_start3A_49 : memref<1x128x128xf32, #tpu.memory_space<hbm>> -> memref<128x128xf32, #tpu.memory_space<hbm>>
      %dma_start3A_51 = arith.constant 0 : i32
      %dma_start3A_52 = arith.constant 0 : i32
      %dma_start3A_53 = tpu.memref_slice %arg8[%dma_start3A_51, %dma_start3A_52] : memref<128x128xf32, #tpu.memory_space<vmem>> -> memref<128x128xf32, #tpu.memory_space<vmem>>
      tpu.enqueue_dma source(%dma_start3A_53 : memref<128x128xf32, #tpu.memory_space<vmem>>) target(%dma_start3A_50 : memref<128x128xf32, #tpu.memory_space<hbm>>) target_semaphore(%run_scoped3A_41 : memref<!tpu.dma_semaphore, #tpu.memory_space<semaphore_mem>>)
      %dma_wait3A = arith.constant 0 : i32
      %dma_wait3A_54 = arith.constant 0 : i32
      %dma_wait3A_55 = tpu.memref_slice %arg8[%dma_wait3A, %dma_wait3A_54] : memref<128x128xf32, #tpu.memory_space<vmem>> -> memref<128x128xf32, #tpu.memory_space<vmem>>
      %dma_wait3A_56 = arith.constant 0 : i32
      %dma_wait3A_57 = tpu.memref_slice %arg5[%arg0, %add3A_36, %dma_wait3A_56] : memref<2x10112x128xf32, #tpu.memory_space<hbm>> -> memref<1x128x128xf32, #tpu.memory_space<hbm>>
      %dma_wait3A_58 = tpu.memref_squeeze %dma_wait3A_57 : memref<1x128x128xf32, #tpu.memory_space<hbm>> -> memref<128x128xf32, #tpu.memory_space<hbm>>
      %dma_wait3A_59 = arith.constant 0 : i32
      %dma_wait3A_60 = tpu.memref_slice %arg5[%arg0, %add3A_36, %dma_wait3A_59] : memref<2x10112x128xf32, #tpu.memory_space<hbm>> -> memref<1x128x128xf32, #tpu.memory_space<hbm>>
      %dma_wait3A_61 = tpu.memref_squeeze %dma_wait3A_60 : memref<1x128x128xf32, #tpu.memory_space<hbm>> -> memref<128x128xf32, #tpu.memory_space<hbm>>
      %dma_wait3A_62 = arith.constant 0 : i32
      %dma_wait3A_63 = arith.constant 0 : i32
      %dma_wait3A_64 = tpu.memref_slice %arg8[%dma_wait3A_62, %dma_wait3A_63] : memref<128x128xf32, #tpu.memory_space<vmem>> -> memref<128x128xf32, #tpu.memory_space<vmem>>
      tpu.wait_dma2 semaphore(%run_scoped3A_41 : memref<!tpu.dma_semaphore, #tpu.memory_space<semaphore_mem>>) src(%dma_wait3A_64 : memref<128x128xf32, #tpu.memory_space<vmem>>) dst(%dma_wait3A_61 : memref<128x128xf32, #tpu.memory_space<hbm>>)
      tpu.yield
    }) : () -> ()
    %add3A_37 = arith.constant 128 : i32
    %add3A_38 = arith.addi %add3A_36, %add3A_37 : i32
    "tpu.region"() ({
      %run_scoped3A_41 = tpu.sem_alloc : memref<!tpu.dma_semaphore, #tpu.memory_space<semaphore_mem>>
      %dma_start3A_42 = arith.constant 0 : i32
      %dma_start3A_43 = arith.constant 0 : i32
      %dma_start3A_44 = tpu.memref_slice %arg8[%dma_start3A_42, %dma_start3A_43] : memref<128x128xf32, #tpu.memory_space<vmem>> -> memref<120x128xf32, #tpu.memory_space<vmem>>
      %dma_start3A_45 = arith.constant 0 : i32
      %dma_start3A_46 = tpu.memref_slice %arg10[%add3A_38, %dma_start3A_45] : memref<10112x128xf32, #tpu.memory_space<vmem_shared>> -> memref<120x128xf32, #tpu.memory_space<vmem_shared>>
      %dma_start3A_47 = arith.constant 0 : i32
      %dma_start3A_48 = arith.constant 0 : i32
      %dma_start3A_49 = tpu.memref_slice %arg8[%dma_start3A_47, %dma_start3A_48] : memref<128x128xf32, #tpu.memory_space<vmem>> -> memref<120x128xf32, #tpu.memory_space<vmem>>
      %dma_start3A_50 = arith.constant 0 : i32
      %dma_start3A_51 = tpu.memref_slice %arg10[%add3A_38, %dma_start3A_50] : memref<10112x128xf32, #tpu.memory_space<vmem_shared>> -> memref<120x128xf32, #tpu.memory_space<vmem_shared>>
      tpu.enqueue_dma source(%dma_start3A_51 : memref<120x128xf32, #tpu.memory_space<vmem_shared>>) target(%dma_start3A_49 : memref<120x128xf32, #tpu.memory_space<vmem>>) target_semaphore(%run_scoped3A_41 : memref<!tpu.dma_semaphore, #tpu.memory_space<semaphore_mem>>)
      %dma_wait3A = arith.constant 0 : i32
      %dma_wait3A_52 = arith.constant 0 : i32
      %dma_wait3A_53 = tpu.memref_slice %arg8[%dma_wait3A, %dma_wait3A_52] : memref<128x128xf32, #tpu.memory_space<vmem>> -> memref<120x128xf32, #tpu.memory_space<vmem>>
      %dma_wait3A_54 = arith.constant 0 : i32
      %dma_wait3A_55 = tpu.memref_slice %arg10[%add3A_38, %dma_wait3A_54] : memref<10112x128xf32, #tpu.memory_space<vmem_shared>> -> memref<120x128xf32, #tpu.memory_space<vmem_shared>>
      %dma_wait3A_56 = arith.constant 0 : i32
      %dma_wait3A_57 = arith.constant 0 : i32
      %dma_wait3A_58 = tpu.memref_slice %arg8[%dma_wait3A_56, %dma_wait3A_57] : memref<128x128xf32, #tpu.memory_space<vmem>> -> memref<120x128xf32, #tpu.memory_space<vmem>>
      %dma_wait3A_59 = arith.constant 0 : i32
      %dma_wait3A_60 = tpu.memref_slice %arg10[%add3A_38, %dma_wait3A_59] : memref<10112x128xf32, #tpu.memory_space<vmem_shared>> -> memref<120x128xf32, #tpu.memory_space<vmem_shared>>
      tpu.wait_dma2 semaphore(%run_scoped3A_41 : memref<!tpu.dma_semaphore, #tpu.memory_space<semaphore_mem>>) src(%dma_wait3A_60 : memref<120x128xf32, #tpu.memory_space<vmem_shared>>) dst(%dma_wait3A_58 : memref<120x128xf32, #tpu.memory_space<vmem>>)
      tpu.yield
    }) : () -> ()
    "tpu.region"() ({
      %run_scoped3A_41 = tpu.sem_alloc : memref<!tpu.dma_semaphore, #tpu.memory_space<semaphore_mem>>
      %dma_start3A_42 = arith.constant 0 : i32
      %dma_start3A_43 = arith.constant 0 : i32
      %dma_start3A_44 = tpu.memref_slice %arg8[%dma_start3A_42, %dma_start3A_43] : memref<128x128xf32, #tpu.memory_space<vmem>> -> memref<120x128xf32, #tpu.memory_space<vmem>>
      %dma_start3A_45 = arith.constant 0 : i32
      %dma_start3A_46 = tpu.memref_slice %arg5[%arg0, %add3A_38, %dma_start3A_45] : memref<2x10112x128xf32, #tpu.memory_space<hbm>> -> memref<1x120x128xf32, #tpu.memory_space<hbm>>
      %dma_start3A_47 = tpu.memref_squeeze %dma_start3A_46 : memref<1x120x128xf32, #tpu.memory_space<hbm>> -> memref<120x128xf32, #tpu.memory_space<hbm>>
      %dma_start3A_48 = arith.constant 0 : i32
      %dma_start3A_49 = tpu.memref_slice %arg5[%arg0, %add3A_38, %dma_start3A_48] : memref<2x10112x128xf32, #tpu.memory_space<hbm>> -> memref<1x120x128xf32, #tpu.memory_space<hbm>>
      %dma_start3A_50 = tpu.memref_squeeze %dma_start3A_49 : memref<1x120x128xf32, #tpu.memory_space<hbm>> -> memref<120x128xf32, #tpu.memory_space<hbm>>
      %dma_start3A_51 = arith.constant 0 : i32
      %dma_start3A_52 = arith.constant 0 : i32
      %dma_start3A_53 = tpu.memref_slice %arg8[%dma_start3A_51, %dma_start3A_52] : memref<128x128xf32, #tpu.memory_space<vmem>> -> memref<120x128xf32, #tpu.memory_space<vmem>>
      tpu.enqueue_dma source(%dma_start3A_53 : memref<120x128xf32, #tpu.memory_space<vmem>>) target(%dma_start3A_50 : memref<120x128xf32, #tpu.memory_space<hbm>>) target_semaphore(%run_scoped3A_41 : memref<!tpu.dma_semaphore, #tpu.memory_space<semaphore_mem>>)
      %dma_wait3A = arith.constant 0 : i32
      %dma_wait3A_54 = arith.constant 0 : i32
      %dma_wait3A_55 = tpu.memref_slice %arg8[%dma_wait3A, %dma_wait3A_54] : memref<128x128xf32, #tpu.memory_space<vmem>> -> memref<120x128xf32, #tpu.memory_space<vmem>>
      %dma_wait3A_56 = arith.constant 0 : i32
      %dma_wait3A_57 = tpu.memref_slice %arg5[%arg0, %add3A_38, %dma_wait3A_56] : memref<2x10112x128xf32, #tpu.memory_space<hbm>> -> memref<1x120x128xf32, #tpu.memory_space<hbm>>
      %dma_wait3A_58 = tpu.memref_squeeze %dma_wait3A_57 : memref<1x120x128xf32, #tpu.memory_space<hbm>> -> memref<120x128xf32, #tpu.memory_space<hbm>>
      %dma_wait3A_59 = arith.constant 0 : i32
      %dma_wait3A_60 = tpu.memref_slice %arg5[%arg0, %add3A_38, %dma_wait3A_59] : memref<2x10112x128xf32, #tpu.memory_space<hbm>> -> memref<1x120x128xf32, #tpu.memory_space<hbm>>
      %dma_wait3A_61 = tpu.memref_squeeze %dma_wait3A_60 : memref<1x120x128xf32, #tpu.memory_space<hbm>> -> memref<120x128xf32, #tpu.memory_space<hbm>>
      %dma_wait3A_62 = arith.constant 0 : i32
      %dma_wait3A_63 = arith.constant 0 : i32
      %dma_wait3A_64 = tpu.memref_slice %arg8[%dma_wait3A_62, %dma_wait3A_63] : memref<128x128xf32, #tpu.memory_space<vmem>> -> memref<120x128xf32, #tpu.memory_space<vmem>>
      tpu.wait_dma2 semaphore(%run_scoped3A_41 : memref<!tpu.dma_semaphore, #tpu.memory_space<semaphore_mem>>) src(%dma_wait3A_64 : memref<120x128xf32, #tpu.memory_space<vmem>>) dst(%dma_wait3A_61 : memref<120x128xf32, #tpu.memory_space<hbm>>)
      tpu.yield
    }) : () -> ()
    %add3A_39 = arith.constant 120 : i32
    %add3A_40 = arith.addi %add3A_38, %add3A_39 : i32
    return
  }
}

module attributes {stable_mosaic.version = 14 : i64} {
  func.func @_scale_body(%arg0: i32, %arg1: memref<16xf32, #tpu.memory_space<smem>>, %arg2: memref<10000x128xf32, #tpu.memory_space<vmem>>, %arg3: memref<10000x128xf32, #tpu.memory_space<vmem>>) attributes {dimension_semantics = [#tpu.dimension_semantics<arbitrary>], iteration_bounds = array<i64: 16>, scalar_prefetch = 0 : i64, scratch_operands = 0 : i64, tpu.core_type = #tpu.core_type<tc>, window_params = [{transform_indices = @transform_0, window_bounds = array<i64: 16>}, {pipeline_mode = #tpu.pipeline_mode<synchronous>, transform_indices = @transform_1, window_bounds = array<i64: 10000, 128>}, {transform_indices = @transform_2, window_bounds = array<i64: 10000, 128>}]} {
    %get3A = arith.index_cast %arg0 : i32 to index
    %get3A_0 = memref.load %arg1[%get3A] : memref<16xf32, #tpu.memory_space<smem>>
    %get3A_1 = arith.constant 0 : index
    %get3A_2 = arith.constant 0 : index
    %get3A_3 = vector.load %arg2[%get3A_1, %get3A_2] : memref<10000x128xf32, #tpu.memory_space<vmem>>, vector<10000x128xf32>
    %mul3A = vector.broadcast %get3A_0 : f32 to vector<10000x128xf32>
    %mul3A_4 = arith.mulf %mul3A, %get3A_3 : vector<10000x128xf32>
    %swap3A = arith.constant 0 : index
    %swap3A_5 = arith.constant 0 : index
    %swap3A_6 = vector.load %arg3[%swap3A, %swap3A_5] : memref<10000x128xf32, #tpu.memory_space<vmem>>, vector<10000x128xf32>
    tpu.vector_store %arg3[%swap3A, %swap3A_5], %mul3A_4 {strides = array<i32>} : memref<10000x128xf32, #tpu.memory_space<vmem>>, vector<10000x128xf32>,
    return
  }
  func.func @transform_0(%arg0: i32) -> i32 {
    %c0_i32 = arith.constant 0 : i32
    %c0_i32_0 = arith.constant 0 : i32
    return %c0_i32 : i32
  }
  func.func @transform_1(%arg0: i32) -> (i32, i32) {
    %c0_i32 = arith.constant 0 : i32
    %c0_i32_0 = arith.constant 0 : i32
    %c0_i32_1 = arith.constant 0 : i32
    return %c0_i32, %c0_i32_0 : i32, i32
  }
  func.func @transform_2(%arg0: i32) -> (i32, i32) {
    %c0_i32 = arith.constant 0 : i32
    %c0_i32_0 = arith.constant 0 : i32
    return %arg0, %c0_i32 : i32, i32
  }
}

module attributes {stable_mosaic.version = 14 : i64} {
  func.func @_update_body(%arg0: i32, %arg1: memref<400x128xf32, #tpu.memory_space<vmem>>, %arg2: memref<400x128xf32, #tpu.memory_space<vmem>>, %arg3: memref<400x128xf32, #tpu.memory_space<vmem>>, %arg4: memref<2x128x128xf32, #tpu.memory_space<vmem>>, %arg5: memref<2x128x128xf32, #tpu.memory_space<vmem>>, %arg6: memref<2x128xf32, #tpu.memory_space<vmem>>, %arg7: memref<400x128xf32, #tpu.memory_space<vmem>>) attributes {dimension_semantics = [#tpu.dimension_semantics<arbitrary>], iteration_bounds = array<i64: 25>, scalar_prefetch = 0 : i64, scratch_operands = 0 : i64, tpu.core_type = #tpu.core_type<tc>, window_params = [{transform_indices = @transform_0, window_bounds = array<i64: 400, 128>}, {transform_indices = @transform_1, window_bounds = array<i64: 400, 128>}, {transform_indices = @transform_2, window_bounds = array<i64: 400, 128>}, {pipeline_mode = #tpu.pipeline_mode<synchronous>, transform_indices = @transform_3, window_bounds = array<i64: 2, 128, 128>}, {pipeline_mode = #tpu.pipeline_mode<synchronous>, transform_indices = @transform_4, window_bounds = array<i64: 2, 128, 128>}, {pipeline_mode = #tpu.pipeline_mode<synchronous>, transform_indices = @transform_5, window_bounds = array<i64: 2, 128>}, {transform_indices = @transform_6, window_bounds = array<i64: 400, 128>}]} {
    %get3A = arith.constant 0 : index
    %get3A_0 = arith.constant 0 : index
    %get3A_1 = arith.constant 0 : index
    %get3A_2 = vector.load %arg5[%get3A, %get3A_0, %get3A_1] : memref<2x128x128xf32, #tpu.memory_space<vmem>>, vector<1x128x128xf32>
    %get3A_3 = vector.shape_cast %get3A_2 : vector<1x128x128xf32> to vector<128x128xf32>
    %get3A_4 = arith.constant 1 : index
    %get3A_5 = arith.constant 0 : index
    %get3A_6 = arith.constant 0 : index
    %get3A_7 = vector.load %arg5[%get3A_4, %get3A_5, %get3A_6] : memref<2x128x128xf32, #tpu.memory_space<vmem>>, vector<1x128x128xf32>
    %get3A_8 = vector.shape_cast %get3A_7 : vector<1x128x128xf32> to vector<128x128xf32>
    %add3A = arith.addf %get3A_3, %get3A_8 : vector<128x128xf32>
    %get3A_9 = arith.constant 0 : index
    %get3A_10 = arith.constant 0 : index
    %get3A_11 = vector.load %arg1[%get3A_9, %get3A_10] : memref<400x128xf32, #tpu.memory_space<vmem>>, vector<400x128xf32>
    %get3A_12 = arith.constant 0 : index
    %get3A_13 = arith.constant 0 : index
    %get3A_14 = arith.constant 0 : index
    %get3A_15 = vector.load %arg4[%get3A_12, %get3A_13, %get3A_14] : memref<2x128x128xf32, #tpu.memory_space<vmem>>, vector<1x128x128xf32>
    %get3A_16 = vector.shape_cast %get3A_15 : vector<1x128x128xf32> to vector<128x128xf32>
    %dot_general3A = arith.constant dense<0.000000e+00> : vector<400x128xf32>
    %dot_general3A_17 = tpu.matmul %get3A_11, %get3A_16, %dot_general3A {dimension_numbers = #tpu.dot_dimension_numbers<[1], [0], [0], [1], [0, 0, 1, 1], [], []>, transpose_lhs_hint = false} : vector<400x128xf32>, vector<128x128xf32>, vector<400x128xf32> -> vector<400x128xf32>
    %get3A_18 = arith.constant 0 : index
    %get3A_19 = arith.constant 0 : index
    %get3A_20 = vector.load %arg2[%get3A_18, %get3A_19] : memref<400x128xf32, #tpu.memory_space<vmem>>, vector<400x128xf32>
    %get3A_21 = arith.constant 1 : index
    %get3A_22 = arith.constant 0 : index
    %get3A_23 = arith.constant 0 : index
    %get3A_24 = vector.load %arg4[%get3A_21, %get3A_22, %get3A_23] : memref<2x128x128xf32, #tpu.memory_space<vmem>>, vector<1x128x128xf32>
    %get3A_25 = vector.shape_cast %get3A_24 : vector<1x128x128xf32> to vector<128x128xf32>
    %dot_general3A_26 = arith.constant dense<0.000000e+00> : vector<400x128xf32>
    %dot_general3A_27 = tpu.matmul %get3A_20, %get3A_25, %dot_general3A_26 {dimension_numbers = #tpu.dot_dimension_numbers<[1], [0], [0], [1], [0, 0, 1, 1], [], []>, transpose_lhs_hint = false} : vector<400x128xf32>, vector<128x128xf32>, vector<400x128xf32> -> vector<400x128xf32>
    %add3A_28 = arith.addf %dot_general3A_17, %dot_general3A_27 : vector<400x128xf32>
    %get3A_29 = arith.constant 0 : index
    %get3A_30 = arith.constant 0 : index
    %get3A_31 = vector.load %arg3[%get3A_29, %get3A_30] : memref<400x128xf32, #tpu.memory_space<vmem>>, vector<400x128xf32>
    %dot_general3A_32 = arith.constant dense<0.000000e+00> : vector<400x128xf32>
    %dot_general3A_33 = tpu.matmul %get3A_31, %add3A, %dot_general3A_32 {dimension_numbers = #tpu.dot_dimension_numbers<[1], [0], [0], [1], [0, 0, 1, 1], [], []>, transpose_lhs_hint = false} : vector<400x128xf32>, vector<128x128xf32>, vector<400x128xf32> -> vector<400x128xf32>
    %add3A_34 = arith.addf %add3A_28, %dot_general3A_33 : vector<400x128xf32>
    %get3A_35 = arith.constant 0 : index
    %get3A_36 = arith.constant 0 : index
    %get3A_37 = vector.load %arg6[%get3A_35, %get3A_36] : memref<2x128xf32, #tpu.memory_space<vmem>>, vector<1x128xf32>
    %get3A_38 = vector.shape_cast %get3A_37 : vector<1x128xf32> to vector<128xf32>
    %get3A_39 = arith.constant 1 : index
    %get3A_40 = arith.constant 0 : index
    %get3A_41 = vector.load %arg6[%get3A_39, %get3A_40] : memref<2x128xf32, #tpu.memory_space<vmem>>, vector<1x128xf32>
    %get3A_42 = vector.shape_cast %get3A_41 : vector<1x128xf32> to vector<128xf32>
    %add3A_43 = arith.addf %get3A_38, %get3A_42 : vector<128xf32>
    %broadcast_in_dim3A = vector.shape_cast %add3A_43 : vector<128xf32> to vector<1x128xf32>
    %add3A_44 = vector.broadcast %broadcast_in_dim3A : vector<1x128xf32> to vector<400x128xf32>
    %add3A_45 = arith.addf %add3A_34, %add3A_44 : vector<400x128xf32>
    %swap3A = arith.constant 0 : index
    %swap3A_46 = arith.constant 0 : index
    %swap3A_47 = vector.load %arg7[%swap3A, %swap3A_46] : memref<400x128xf32, #tpu.memory_space<vmem>>, vector<400x128xf32>
    tpu.vector_store %arg7[%swap3A, %swap3A_46], %add3A_45 {strides = array<i32>} : memref<400x128xf32, #tpu.memory_space<vmem>>, vector<400x128xf32>,
    return
  }
  func.func @transform_0(%arg0: i32) -> (i32, i32) {
    %c0_i32 = arith.constant 0 : i32
    %c0_i32_0 = arith.constant 0 : i32
    return %arg0, %c0_i32 : i32, i32
  }
  func.func @transform_1(%arg0: i32) -> (i32, i32) {
    %c0_i32 = arith.constant 0 : i32
    %c0_i32_0 = arith.constant 0 : i32
    return %arg0, %c0_i32 : i32, i32
  }
  func.func @transform_2(%arg0: i32) -> (i32, i32) {
    %c0_i32 = arith.constant 0 : i32
    %c0_i32_0 = arith.constant 0 : i32
    return %arg0, %c0_i32 : i32, i32
  }
  func.func @transform_3(%arg0: i32) -> (i32, i32, i32) {
    %c0_i32 = arith.constant 0 : i32
    %c0_i32_0 = arith.constant 0 : i32
    %c0_i32_1 = arith.constant 0 : i32
    %c0_i32_2 = arith.constant 0 : i32
    return %c0_i32, %c0_i32_0, %c0_i32_1 : i32, i32, i32
  }
  func.func @transform_4(%arg0: i32) -> (i32, i32, i32) {
    %c0_i32 = arith.constant 0 : i32
    %c0_i32_0 = arith.constant 0 : i32
    %c0_i32_1 = arith.constant 0 : i32
    %c0_i32_2 = arith.constant 0 : i32
    return %c0_i32, %c0_i32_0, %c0_i32_1 : i32, i32, i32
  }
  func.func @transform_5(%arg0: i32) -> (i32, i32) {
    %c0_i32 = arith.constant 0 : i32
    %c0_i32_0 = arith.constant 0 : i32
    %c0_i32_1 = arith.constant 0 : i32
    return %c0_i32, %c0_i32_0 : i32, i32
  }
  func.func @transform_6(%arg0: i32) -> (i32, i32) {
    %c0_i32 = arith.constant 0 : i32
    %c0_i32_0 = arith.constant 0 : i32
    return %arg0, %c0_i32 : i32, i32
  }
}

</mosaic_0001>

<sc_bundles>
// kernel: kernel.5.cloned.1.call-start
scs
__scs_entry_jumppad:
0x0: {  	(pc) =	sbr.rel $0x88, $3  }
0x1: {  	(tag) =	ssettag $0x0;
	lr =	simm.s32 $0x1  }
0x2: {  	[smem:$0x3F9A] =	sst lr;
	_ =	strace $0xD0000000  }
0x3: {  	_ = 	snop  }
0x4: {  	_ = 	snop  }
0x5: {  	_ = 	snop  }
0x6: {  	_ = 	snop  }
0x7: {  	_ = 	snop  }
__scs_overlays_trampoline_lowered:
0x8: {  	[smem:$0x3FA9] =	sst s0  }
0x9: {  	[smem:$0x3FAA] =	sst s1  }
0xa: {  	[smem:$0x3FAB] =	sst s2  }
0xb: {  	[smem:$0x3FAC] =	sst s3  }
0xc: {  	[smem:$0x3FAD] =	sst s4  }
0xd: {  	[smem:$0x3FAE] =	sst s5  }
0xe: {  	[smem:$0x3FAF] =	sst s6  }
0xf: {  	[smem:$0x3FB0] =	sst s7  }
0x10: {  	[smem:$0x3FB1] =	sst s8  }
0x11: {  	[smem:$0x3FB2] =	sst s9;
	s0 =	simm.s32 @!p0 $0x0  }
0x12: {  	s1 =	sld [smem:$0x3F98];
	s0 =	simm.s32 @p0 $0x1  }
0x13: {  	[smem:$0x3FB3] =	sst s0;
	s0 =	simm.s32 @!p1 $0x0  }
0x14: {  	s2 =	sld [smem:$0x3F97];
	s0 =	simm.s32 @p1 $0x1  }
0x15: {  	[smem:$0x3FB4] =	sst s0;
	s0 =	simm.s32 @!p2 $0x0  }
0x16: {  	s3 =	sld [smem:$0x3FDB];
	s0 =	simm.s32 @p2 $0x1  }
0x17: {  	s4 =	simm.s32 $0x1BF5;
	[smem:$0x3FB6] =	sst s0  }
0x18: {  	s0 =	sld [smem:$0x3F99];
	_ =	swait.ge [sflag:s4], $0x0  }
0x19: {  	s7 =	sld [smem:$0x3F9A]  }
0x1a: {  	s8 =	sadd.s32 $0xFFFFE003, lr  }
0x1b: {  	s9 =	sadd.s32 $0xFFFFFEF7, lr;
	s5 =	simm.s32 $0xFFFFFFFF;
	p2 =	slt.u32 s8, $0xFFFFF086  }
0x1c: {  	p1 =	slt.u32 s9, $0xF7A;
	s5 =	simm.s32 @!p2 $0x0  }
0x1d: {  	s5 =	simm.s32 @p1 $0x1;
	p0 =	seq.s32 s7, s2  }
0x1e: {  	s7 =	smul.u32 @!p0 $0xF7A, s2;
	p2 =	seq.s32 @!p0 s5, $0x0  }
0x1f: {  	s9 =	smul.u32 $0xF7A, s1;
	s8 =	simm.s32 @!p0 $0x1BF5;
	p2 =	por !p2, p0  }
0x20: {  	[sflag:s8] =	ssyncset.s32 @!p0 $0xFFFFF086;
	s6 =	sadd.s32 @!p0 s3, s7;
	s7 =	simm.s32 @!p0 $0x108  }
0x21: {  	s3 =	sadd.s32 s3, s9;
	s6 =	sadd.s32 @!p0 $0x88, s6;
	s7 =	simm.s32 @p2 $0x1082  }
0x22: {  	[simem:s7], [sflag:s8] =	dma.local @!p0 [hbm:s6], $0xF7A  }
0x23: {  	s9 =	sor.u32 $0xD0000000, s2;
	s6 =	simm.s32 $0x108;
	_ =	swait.ge @!p0 [sflag:s8], $0x0  }
0x24: {  	s3 =	sadd.s32 $0x88, s3;
	s6 =	simm.s32 @!p1 $0x1082;
	[sflag:s4] =	ssyncset.s32 $0xFFFFF086  }
0x25: {  	[simem:s6], [sflag:s4] =	dma.local [hbm:s3], $0xF7A  }
0x26: {  	[smem:$0x3F9A] =	sst s1;
	(tag) =	ssettag s2;
	_ =	strace s9  }
0x27: {  	s1 =	sld [smem:$0x3FAA]  }
0x28: {  	s2 =	sld [smem:$0x3FAB]  }
0x29: {  	s4 =	sld [smem:$0x3FAD]  }
0x2a: {  	p0 =	seq.s32 s5, $0x0;
	s5 =	sld [smem:$0x3FAE]  }
0x2b: {  	s6 =	sld [smem:$0x3FAF]  }
0x2c: {  	s7 =	sld [smem:$0x3FB0]  }
0x2d: {  	s3 =	simm.s32 $0x108;
	s8 =	sld [smem:$0x3FB1]  }
0x2e: {  	s3 =	simm.s32 @!p0 $0x1082;
	s9 =	sld [smem:$0x3FB2]  }
0x2f: {  	lr =	sadd.s32 s0, s3;
	s0 =	sld [smem:$0x3FA9]  }
0x30: {  	s3 =	sld [smem:$0x3FAC]  }
0x31: {  	[smem:$0x3FB5] =	sst s10  }
0x32: {  	s10 =	sld [smem:$0x3FB3];
	_ =	sdelay $0x3  }
0x33: {  	p0 =	seq.s32 s10, $0x1;
	s10 =	sld [smem:$0x3FB5];
	_ =	sdelay $0x3  }
0x34: {  	[smem:$0x3FB5] =	sst s10  }
0x35: {  	s10 =	sld [smem:$0x3FB4];
	_ =	sdelay $0x3  }
0x36: {  	p1 =	seq.s32 s10, $0x1;
	s10 =	sld [smem:$0x3FB5];
	_ =	sdelay $0x3  }
0x37: {  	[smem:$0x3FB5] =	sst s10  }
0x38: {  	s10 =	sld [smem:$0x3FB6]  }
0x39: {  	_ = 	snop;
	(pc) =	sbr.ind lr, $3  }
0x3a: {  	_ = 	snop  }
0x3b: {  	_ = 	snop  }
0x3c: {  	p2 =	seq.s32 s10, $0x1;
	s10 =	sld [smem:$0x3FB5]  }
0x3d: {  	_ =	shalt  }
0x3e: {  	_ =	shalt  }
0x3f: {  	_ =	shalt  }
0x40: {  	_ =	shalt  }
0x41: {  	_ =	shalt  }
0x42: {  	_ =	shalt  }
0x43: {  	_ =	shalt  }
0x44: {  	_ =	shalt  }
0x45: {  	_ =	shalt  }
0x46: {  	_ =	shalt  }
0x47: {  	_ =	shalt  }
0x48: {  	_ =	shalt  }
0x49: {  	_ =	shalt  }
0x4a: {  	_ =	shalt  }
0x4b: {  	_ =	shalt  }
0x4c: {  	_ =	shalt  }
0x4d: {  	_ =	shalt  }
0x4e: {  	_ =	shalt  }
0x4f: {  	_ =	shalt  }
0x50: {  	_ =	shalt  }
0x51: {  	_ =	shalt  }
0x52: {  	_ =	shalt  }
0x53: {  	_ =	shalt  }
0x54: {  	_ =	shalt  }
0x55: {  	_ =	shalt  }
0x56: {  	_ =	shalt  }
0x57: {  	_ =	shalt  }
0x58: {  	_ =	shalt  }
0x59: {  	_ =	shalt  }
0x5a: {  	_ =	shalt  }
0x5b: {  	_ =	shalt  }
0x5c: {  	_ =	shalt  }
0x5d: {  	_ =	shalt  }
0x5e: {  	_ =	shalt  }
0x5f: {  	_ =	shalt  }
0x60: {  	_ =	shalt  }
0x61: {  	_ =	shalt  }
0x62: {  	_ =	shalt  }
0x63: {  	_ =	shalt  }
0x64: {  	_ =	shalt  }
0x65: {  	_ =	shalt  }
0x66: {  	_ =	shalt  }
0x67: {  	_ =	shalt  }
0x68: {  	_ =	shalt  }
0x69: {  	_ =	shalt  }
0x6a: {  	_ =	shalt  }
0x6b: {  	_ =	shalt  }
0x6c: {  	_ =	shalt  }
0x6d: {  	_ =	shalt  }
0x6e: {  	_ =	shalt  }
0x6f: {  	_ =	shalt  }
0x70: {  	_ =	shalt  }
0x71: {  	_ =	shalt  }
0x72: {  	_ =	shalt  }
0x73: {  	_ =	shalt  }
0x74: {  	_ =	shalt  }
0x75: {  	_ =	shalt  }
0x76: {  	_ =	shalt  }
0x77: {  	_ =	shalt  }
0x78: {  	_ =	shalt  }
0x79: {  	_ =	shalt  }
0x7a: {  	_ =	shalt  }
0x7b: {  	_ =	shalt  }
0x7c: {  	_ =	shalt  }
0x7d: {  	_ =	shalt  }
0x7e: {  	_ =	shalt  }
0x7f: {  	_ =	shalt  }
0x80: {  	_ =	shalt  }
0x81: {  	_ =	shalt  }
0x82: {  	_ =	shalt  }
0x83: {  	_ =	shalt  }
0x84: {  	_ =	shalt  }
0x85: {  	_ =	shalt  }
0x86: {  	_ =	shalt  }
0x87: {  	_ =	shalt  }
.Lfunc_end0:
.L_simem_size_0:
called_computation_lowered:
.L_overlay_start_0:
0x88: {  	s2 =	sld [smem:$0x3FD9]  }
0x89: {  	s3 =	sld [smem:$0x3FFE];
	_ =	sdelay $0x1  }
0x8a: {  	s1 =	srdreg.scid  }
0x8b: {  	s0 =	sand.u32 $0x1, s1  }
0x8c: {  	s17 =	sshll.u32 s0, $0xA;
	s2 =	sadd.s32 s3, s2  }
0x8d: {  	s2 =	sadd.s32 s2, s17  }
0x8e: {  	[smem:$0x3FC1] =	sst s2  }
0x8f: {  	_ = 	snop  }
0x90: {  	s2 =	sld [smem:$0x3FD0];
	(tm) =	ssettm $0x1  }
0x91: {  	s18 =	sld [smem:$0x3FFB];
	_ =	sdelay $0x3  }
0x92: {  	_ =	strace s18  }
0x93: {  	s3 =	sld [smem:$0x3FFC];
	_ =	sdelay $0x3  }
0x94: {  	_ =	strace s3  }
0x95: {  	s3 =	sld [smem:$0x3FFD];
	_ =	sdelay $0x3  }
0x96: {  	_ =	strace s3  }
0x97: {  	_ =	strace $0x8FFFFFFF  }
0x98: {  	s19 =	sld [smem:$0x3FDB];
	_ =	sdelay $0x1  }
0x99: {  	s4 =	simm.s32 $_scs_section_size  }
0x9a: {  	s5 =	simm.s32 $_size__tile_overlayer_lowered;
	s6 =	simm.s32 $_tile_overlayer_lowered  }
0x9b: {  	s22 =	simm.s32 $0x1BFF;
	s21 =	sshll.u32 s6, $0x1;
	s3 =	sadd.s32 s4, s19  }
0x9c: {  	s7 =	simm.s32 $0x0;
	s20 =	sshll.u32 s5, $0x1;
	s5 =	sadd.s32 s21, s3  }
0x9d: {  	[timem:s7], [sflag:s22] =	dma.local [hbm:s5], s20  }
0x9e: {  	_ =	swait.ge [sflag:s22], s20  }
0x9f: {  	s4 =	ssub.s32 $0x0, s20;
	[sflag:s22] =	ssyncset.done $0x0  }
0xa0: {  	[sflag:s22] =	ssyncadd.s32 s4;
	_ =	sdelay $0x1  }
0xa1: {  	s23 =	simm.s32 $0x1B8B  }
0xa2: {  	_ =	swait.ge [sflag:s23], $0x1  }
0xa3: {  	[sflag:s23] =	ssyncset.done $0x0  }
0xa4: {  	s25 =	simm.s32 $0x1B8E;
	s24 =	sld [smem:$0x3FFE];
	[sflag:s23] =	ssyncadd.s32 $0xFFFFFFFF  }
0xa5: {  	s26 =	simm.s32 $execute0_lowered;
	[smem:$0x3FD2] =	sst s25  }
0xa6: {  	s5 =	sshll.u32 s26, $0x1;
	_ =	strace $0x80000046;
	[dreg:$0x1] =	wrdreg $0xFFFFFFFF  }
0xa7: {  	s28 =	simm.s32 $_size_execute0_lowered;
	s3 =	sadd.s32 s3, s5;
	[dreg:$0x0] =	wrdreg $0x0  }
0xa8: {  	s5 =	sshll.u32 s28, $0x1;
	[dreg:$0x2] =	wrdreg s3  }
0xa9: {  	[dreg:$0x3] =	wrdreg s5  }
0xaa: {  	[dreg:$0x4] =	wrdreg $0xC0  }
0xab: {  	_ =	task [dreg:s7], $0x5FFFF  }
0xac: {  	[dreg:$0x1] =	wrdreg $0xFFFFFFFF  }
0xad: {  	[dreg:$0x0] =	wrdreg $0x60  }
0xae: {  	[dreg:$0x2] =	wrdreg s24  }
0xaf: {  	[dreg:$0x3] =	wrdreg s2  }
0xb0: {  	[dreg:$0x4] =	wrdreg $0x82000  }
0xb1: {  	[dreg:$0x5] =	wrdreg $0x9  }
0xb2: {  	_ =	task.clear_ibuf [dreg:s7], $0x6FFFF;
	_ =	strace $0x90000046  }
0xb3: {  	s29 =	simm.s32 $0x9;
	_ =	strace $0x80000048  }
0xb4: {  	_ =	swait.ge [sflag:s29], $0x1  }
0xb5: {  	[sflag:s29] =	ssyncadd.s32 $0xFFFFFFFF  }
0xb6: {  	_ =	strace $0x90000048  }
0xb7: {  	_ =	sfence  }
0xb8: {  	s30 =	sld [smem:$0x0];
	_ =	sdelay $0x2  }
0xb9: {  	s31 =	sshll.u32 s1, $0xD;
	s1 =	sshrl.u32 s1, $0x2  }
0xba: {  	s3 =	sand.u32 $0x4000, s31;
	s1 =	sadd.s32 s1, s30  }
0xbb: {  	s0 =	sor.u32 s3, s0;
	s1 =	sshll.u32 s1, $0x11  }
0xbc: {  	s0 =	sor.u32 s1, s0  }
0xbd: {  	s0 =	sadd.s32 $0x8F2B, s0  }
0xbe: {  	[sflag:s0] =	ssyncadd.remote.s32 $0x1  }
0xbf: {  	_ =	sfence.sel $0xFFFF  }
0xc0: {  	[dreg:$0x0] =	wrdreg $0xFFFFFFFF;
	(pc) =	sbr.abs _section_cstart, $3  }
0xc1: {  	[dreg:$0x1] =	wrdreg $0xFFFFFFFF  }
0xc2: {  	_ =	task.clear_ibuf [dreg:s7], $0x2FFFF;
	_ =	strace $0x9FFFFFFF  }
0xc3: {  	(tm) =	ssettm $0x7FFFFFFF  }
tec
execute0_lowered:
.L_overlay_start_1:
0x0: {  	(tag) =	ssettag $0x1  }
0x1: {  	s0 =	rddreg [dreg:$0x0]  }
0x2: {  	s2 =	rddreg [dreg:$0x2];
	s4 =	simm.s32 $0x0;
	s1 =	srdreg.scid  }
0x3: {  	s9 =	stileid.u32;
	s28 =	simm.s32 $0x4;
	s29 =	simm.s32 $0x4200  }
0x4: {  	s30 =	simm.s32 $0x2;
	s31 =	simm.s32 $0x3;
	s3 =	smul.u32 $0x4F000, s9  }
0x5: {  	[smem:$0x7FF] =	sst s4;
	s5 =	sadd.s32 $0x28200, s0;
	s13 =	smul.u32 $0x13C00, s9  }
0x6: {  	s1 =	sand.u32 $0x1, s1;
	s6 =	sadd.s32 $0xA00, s0;
	s11 =	smul.u32 $0x9E00, s9  }
0x7: {  	s0 =	sadd.s32 $0x299200, s0;
	s7 =	ssub.s32 $0x2, s1;
	s10 =	smul.u32 $0x9E000, s1  }
0x8: {  	_ =	strace $0x80000047;
	s1 =	smul.u32 $0x13C000, s1;
	s8 =	sshrl.u32 s7, $0x1  }
0x9: {  	s3 =	sshrl.u32 s3, $0x2;
	s20 =	sadd.s32 $0x4000, s13;
	s15 =	sadd.s32 $0x8000, s13  }
0xa: {  	s17 =	sadd.s32 $0xC000, s13;
	s18 =	sadd.s32 $0x10000, s13;
	s14 =	ssub.s32 s7, s8  }
0xb: {  	s7 =	sadd.s32 s3, s2;
	s8 =	sadd.s32 s20, s2;
	s9 =	sadd.s32 s15, s2  }
0xc: {  	s21 =	sadd.s32 s11, s10;
	s10 =	sadd.s32 s17, s2;
	s12 =	sadd.s32 s18, s2  }
0xd: {  	s13 =	sadd.s32 s13, s1;
	s3 =	sadd.s32 s1, s20;
	s15 =	sadd.s32 s1, s15  }
0xe: {  	s24 =	sadd.s32 s1, s17;
	s1 =	sadd.s32 s1, s18;
	s11 =	sshrl.u32 s21, $0x3  }
0xf: {  	s13 =	sshrl.u32 s13, $0x3;
	s3 =	sshrl.u32 s3, $0x3;
	s23 =	sshrl.u32 s15, $0x3  }
0x10: {  	s25 =	sadd.s32 $0x300, s21;
	s1 =	sshrl.u32 s1, $0x3;
	s19 =	smax.u32 s14, $0x1  }
0x11: {  	s21 =	sadd.s32 $0x200, s21;
	s11 =	sadd.s32 s6, s11;
	s22 =	sadd.s32 s0, s13  }
0x12: {  	s15 =	sadd.s32 s0, s3;
	s16 =	sadd.s32 s0, s23;
	s3 =	sshrl.u32 s24, $0x3  }
0x13: {  	s26 =	sshrl.u32 s25, $0x3;
	s18 =	sadd.s32 s0, s1;
	s23 =	simm.s32 $0x5  }
0x14: {  	s24 =	simm.s32 $0x80;
	s25 =	simm.s32 $0x100;
	[dreg:$0x4] =	wrdreg s11  }
0x15: {  	s11 =	sadd.s32 $0x20, s11;
	[dreg:$0x6] =	wrdreg s22;
	s17 =	sadd.s32 s0, s3  }
0x16: {  	s20 =	sadd.s32 s26, s6;
	s22 =	simm.s32 $0x200;
	s26 =	simm.s32 $0x1  }
0x17: {  	s0 =	simm.s32 $0x180;
	s3 =	simm.s32 $0x0;
	[dreg:$0x5] =	wrdreg s11  }
.LBB2_1:
0x18: {  	s1 =	rddreg [dreg:$0x1]  }
0x19: {  	[tilespmem:s22], [sflag:$0x5] =	stream.linear.gather [hbm4b:s1+s4], $0x4000, $0x38;
	[tilespmem:$0x1BE00] =	vst v63  }
0x1a: {  	_ =	swait.ge [sflag:s23], $0x4000  }
0x1b: {  	[sflag:s23] =	ssyncset.done $0x0  }
0x1c: {  	[sflag:s23] =	ssyncadd.s32 $0xFFFFC000  }
0x1d: {  	[spmem:s7] =	stream.linear.scatter [tilespmem:s22], [sflag:$0x5], $0x4000, $0x38;
	[tilespmem:$0x1BE00] =	vst v63  }
0x1e: {  	_ =	swait.ge [sflag:s23], $0x4000  }
0x1f: {  	[sflag:s23] =	ssyncset.done $0x0  }
0x20: {  	[sflag:s23] =	ssyncadd.s32 $0xFFFFC000  }
0x21: {  	[spmem:s8] =	stream.linear.scatter [tilespmem:s22], [sflag:$0x5], $0x4000, $0x38;
	[tilespmem:$0x1BE00] =	vst v63  }
0x22: {  	_ =	swait.ge [sflag:s23], $0x4000  }
0x23: {  	[sflag:s23] =	ssyncset.done $0x0  }
0x24: {  	[sflag:s23] =	ssyncadd.s32 $0xFFFFC000  }
0x25: {  	[spmem:s9] =	stream.linear.scatter [tilespmem:s22], [sflag:$0x5], $0x4000, $0x38;
	[tilespmem:$0x1BE00] =	vst v63  }
0x26: {  	_ =	swait.ge [sflag:s23], $0x4000  }
0x27: {  	[sflag:s23] =	ssyncset.done $0x0  }
0x28: {  	[sflag:s23] =	ssyncadd.s32 $0xFFFFC000  }
0x29: {  	[spmem:s10] =	stream.linear.scatter [tilespmem:s22], [sflag:$0x5], $0x4000, $0x38;
	[tilespmem:$0x1BE00] =	vst v63  }
0x2a: {  	_ =	swait.ge [sflag:s23], $0x4000  }
0x2b: {  	[sflag:s23] =	ssyncset.done $0x0  }
0x2c: {  	[sflag:s23] =	ssyncadd.s32 $0xFFFFC000  }
0x2d: {  	[spmem:s12] =	stream.linear.scatter [tilespmem:s22], [sflag:$0x5], $0x3C00, $0x38;
	[tilespmem:$0x1BE00] =	vst v63  }
0x2e: {  	_ =	swait.ge [sflag:s23], $0x3C00  }
0x2f: {  	[sflag:s23] =	ssyncset.done $0x0  }
0x30: {  	[sflag:s23] =	ssyncadd.s32 $0xFFFFC400  }
0x31: {  	[bflag:$0x0] =	sbarrier.arrive $0xFFFF  }
0x32: {  	s11 =	rddreg [dreg:$0x4]  }
0x33: {  	[tilespmem:s4], [sflag:$0x5] =	stream.linear.gather [hbm4b:s11+s4], $0x100, $0x38;
	[tilespmem:$0x1BE00] =	vst v63  }
0x34: {  	_ =	swait.ge [sflag:s23], $0x100  }
0x35: {  	[sflag:s23] =	ssyncset.done $0x0  }
0x36: {  	[sflag:s23] =	ssyncadd.s32 $0xFFFFFF00  }
0x37: {  	[tilespmem:s22], [sflag:$0x1] =	stream.indirect.gather [hbm4b:s5+s24], $0x80, s4, s24, $0xb8;
	[tilespmem:$0x1BE00] =	vst v63  }
0x38: {  	s13 =	rddreg [dreg:$0x5]  }
0x39: {  	[tilespmem:s25], [sflag:$0x4] =	stream.linear.gather [hbm4b:s13+s4], $0x100, $0x38;
	[tilespmem:$0x1BE00] =	vst v63  }
0x3a: {  	_ =	swait.ge [sflag:s26], $0x4000  }
0x3b: {  	[sflag:s26] =	ssyncset.done $0x0  }
0x3c: {  	[sflag:s26] =	ssyncadd.s32 $0xFFFFC000  }
0x3d: {  	_ =	swait.ge [sflag:s28], $0x100  }
0x3e: {  	[sflag:s28] =	ssyncset.done $0x0  }
0x3f: {  	[sflag:s28] =	ssyncadd.s32 $0xFFFFFF00  }
0x40: {  	[tilespmem:s29], [sflag:$0x2] =	stream.indirect.gather [hbm4b:s5+s24], $0x80, s25, s24, $0xb8;
	[tilespmem:$0x1BE00] =	vst v63  }
0x41: {  	_ = 	snop  }
0x42: {  	[spmem:s2] =	stream.indirect.scatter.add.f32 [tilespmem:s22], [sflag:$0x5], $0x80, s24, s24, $0xb8;
	[tilespmem:$0x1BE00] =	vst v63  }
0x43: {  	_ =	swait.ge [sflag:s23], $0x4000  }
0x44: {  	s14 =	sshrl.u32 s21, $0x3;
	[sflag:s23] =	ssyncset.done $0x0  }
0x45: {  	s1 =	sadd.s32 s6, s14;
	[sflag:s23] =	ssyncadd.s32 $0xFFFFC000  }
0x46: {  	[tilespmem:s4], [sflag:$0x3] =	stream.linear.gather [hbm4b:s1+s4], $0x100, $0x38;
	[tilespmem:$0x1BE00] =	vst v63  }
0x47: {  	_ =	swait.ge [sflag:s30], $0x4000  }
0x48: {  	[sflag:s30] =	ssyncset.done $0x0  }
0x49: {  	[sflag:s30] =	ssyncadd.s32 $0xFFFFC000  }
0x4a: {  	_ =	swait.ge [sflag:s31], $0x100  }
0x4b: {  	[sflag:s31] =	ssyncset.done $0x0  }
0x4c: {  	[sflag:s31] =	ssyncadd.s32 $0xFFFFFF00  }
0x4d: {  	[tilespmem:s22], [sflag:$0x1] =	stream.indirect.gather [hbm4b:s5+s24], $0x80, s4, s24, $0xb8;
	[tilespmem:$0x1BE00] =	vst v63  }
0x4e: {  	_ = 	snop  }
0x4f: {  	[spmem:s2] =	stream.indirect.scatter.add.f32 [tilespmem:s29], [sflag:$0x5], $0x80, s0, s24, $0xb8;
	[tilespmem:$0x1BE00] =	vst v63  }
0x50: {  	_ =	swait.ge [sflag:s23], $0x4000  }
0x51: {  	s14 =	sadd.s32 $0x0, s20;
	[sflag:s23] =	ssyncset.done $0x0  }
0x52: {  	s13 =	sadd.s32 $0x200, s21;
	s1 =	simm.s32 $0x40;
	[sflag:s23] =	ssyncadd.s32 $0xFFFFC000  }
.LBB2_2:
0x53: {  	[tilespmem:s25], [sflag:$0x4] =	stream.linear.gather [hbm4b:s14+s4], $0x100, $0x38;
	[tilespmem:$0x1BE00] =	vst v63  }
0x54: {  	s14 =	smov.u32 s1  }
0x55: {  	p0 =	sne.s32 s1, $0x1340;
	s1 =	sadd.s32 $0x40, s1;
	_ =	swait.ge [sflag:s26], $0x4000  }
0x56: {  	[sflag:s26] =	ssyncset.done $0x0  }
0x57: {  	[sflag:s26] =	ssyncadd.s32 $0xFFFFC000  }
0x58: {  	_ =	swait.ge [sflag:s28], $0x100  }
0x59: {  	[sflag:s28] =	ssyncset.done $0x0  }
0x5a: {  	[sflag:s28] =	ssyncadd.s32 $0xFFFFFF00  }
0x5b: {  	[tilespmem:s29], [sflag:$0x2] =	stream.indirect.gather [hbm4b:s5+s24], $0x80, s25, s24, $0xb8;
	[tilespmem:$0x1BE00] =	vst v63  }
0x5c: {  	_ = 	snop  }
0x5d: {  	[spmem:s2] =	stream.indirect.scatter.add.f32 [tilespmem:s22], [sflag:$0x5], $0x80, s24, s24, $0xb8;
	[tilespmem:$0x1BE00] =	vst v63  }
0x5e: {  	_ =	swait.ge [sflag:s23], $0x4000  }
0x5f: {  	s11 =	sshrl.u32 s13, $0x3;
	[sflag:s23] =	ssyncset.done $0x0  }
0x60: {  	s11 =	sadd.s32 s6, s11;
	[sflag:s23] =	ssyncadd.s32 $0xFFFFC000  }
0x61: {  	[tilespmem:s4], [sflag:$0x3] =	stream.linear.gather [hbm4b:s11+s4], $0x100, $0x38;
	[tilespmem:$0x1BE00] =	vst v63  }
0x62: {  	_ =	swait.ge [sflag:s30], $0x4000  }
0x63: {  	[sflag:s30] =	ssyncset.done $0x0  }
0x64: {  	[sflag:s30] =	ssyncadd.s32 $0xFFFFC000  }
0x65: {  	_ =	swait.ge [sflag:s31], $0x100  }
0x66: {  	[sflag:s31] =	ssyncset.done $0x0  }
0x67: {  	[sflag:s31] =	ssyncadd.s32 $0xFFFFFF00  }
0x68: {  	[tilespmem:s22], [sflag:$0x1] =	stream.indirect.gather [hbm4b:s5+s24], $0x80, s4, s24, $0xb8;
	[tilespmem:$0x1BE00] =	vst v63  }
.Ltmp0:
0x69: {  	(pc) =	sbr.rel @p0 .LBB2_2-.Ltmp0, $4  }
0x6a: {  	[spmem:s2] =	stream.indirect.scatter.add.f32 [tilespmem:s29], [sflag:$0x5], $0x80, s0, s24, $0xb8;
	[tilespmem:$0x1BE00] =	vst v63  }
0x6b: {  	_ =	swait.ge [sflag:s23], $0x4000  }
0x6c: {  	[sflag:s23] =	ssyncset.done $0x0  }
0x6d: {  	s13 =	sadd.s32 $0x200, s13;
	s14 =	sadd.s32 s14, s20;
	[sflag:s23] =	ssyncadd.s32 $0xFFFFC000  }
0x6e: {  	[tilespmem:s25], [sflag:$0x4] =	stream.linear.gather [hbm4b:s14+s4], $0x100, $0x38;
	[tilespmem:$0x1BE00] =	vst v63  }
0x6f: {  	_ =	swait.ge [sflag:s26], $0x4000  }
0x70: {  	[sflag:s26] =	ssyncset.done $0x0  }
0x71: {  	[sflag:s26] =	ssyncadd.s32 $0xFFFFC000  }
0x72: {  	_ =	swait.ge [sflag:s28], $0x100  }
0x73: {  	[sflag:s28] =	ssyncset.done $0x0  }
0x74: {  	[sflag:s28] =	ssyncadd.s32 $0xFFFFFF00  }
0x75: {  	[tilespmem:s29], [sflag:$0x2] =	stream.indirect.gather [hbm4b:s5+s24], $0x80, s25, s24, $0xb8;
	[tilespmem:$0x1BE00] =	vst v63  }
0x76: {  	_ = 	snop  }
0x77: {  	[spmem:s2] =	stream.indirect.scatter.add.f32 [tilespmem:s22], [sflag:$0x5], $0x80, s24, s24, $0xb8;
	[tilespmem:$0x1BE00] =	vst v63  }
0x78: {  	_ =	swait.ge [sflag:s23], $0x4000  }
0x79: {  	[sflag:s23] =	ssyncset.done $0x0  }
0x7a: {  	[sflag:s23] =	ssyncadd.s32 $0xFFFFC000  }
0x7b: {  	_ =	swait.ge [sflag:s30], $0x4000  }
0x7c: {  	[sflag:s30] =	ssyncset.done $0x0  }
0x7d: {  	[sflag:s30] =	ssyncadd.s32 $0xFFFFC000  }
0x7e: {  	[spmem:s2] =	stream.indirect.scatter.add.f32 [tilespmem:s29], [sflag:$0x5], $0x80, s0, s24, $0xb8;
	[tilespmem:$0x1BE00] =	vst v63  }
0x7f: {  	_ =	swait.ge [sflag:s23], $0x4000  }
0x80: {  	[sflag:s23] =	ssyncset.done $0x0  }
0x81: {  	[sflag:s23] =	ssyncadd.s32 $0xFFFFC000  }
0x82: {  	[bflag:$0x0] =	sbarrier.arrive $0xFFFF  }
0x83: {  	[tilespmem:s22], [sflag:$0x5] =	stream.linear.gather [spmem:s7], $0x4000, $0x38;
	[tilespmem:$0x1BE00] =	vst v63  }
0x84: {  	_ =	swait.ge [sflag:s23], $0x4000  }
0x85: {  	[sflag:s23] =	ssyncset.done $0x0  }
0x86: {  	s1 =	rddreg [dreg:$0x6];
	[sflag:s23] =	ssyncadd.s32 $0xFFFFC000  }
0x87: {  	[hbm4b:s1+s4] =	stream.linear.scatter [tilespmem:s22], [sflag:$0x5], $0x4000, $0x38;
	[tilespmem:$0x1BE00] =	vst v63  }
0x88: {  	_ =	swait.ge [sflag:s23], $0x4000  }
0x89: {  	[sflag:s23] =	ssyncset.done $0x0  }
0x8a: {  	[sflag:s23] =	ssyncadd.s32 $0xFFFFC000  }
0x8b: {  	[tilespmem:s22], [sflag:$0x5] =	stream.linear.gather [spmem:s8], $0x4000, $0x38;
	[tilespmem:$0x1BE00] =	vst v63  }
0x8c: {  	_ =	swait.ge [sflag:s23], $0x4000  }
0x8d: {  	[sflag:s23] =	ssyncset.done $0x0  }
0x8e: {  	[sflag:s23] =	ssyncadd.s32 $0xFFFFC000  }
0x8f: {  	[hbm4b:s15+s4] =	stream.linear.scatter [tilespmem:s22], [sflag:$0x5], $0x4000, $0x38;
	[tilespmem:$0x1BE00] =	vst v63  }
0x90: {  	_ =	swait.ge [sflag:s23], $0x4000  }
0x91: {  	[sflag:s23] =	ssyncset.done $0x0  }
0x92: {  	[sflag:s23] =	ssyncadd.s32 $0xFFFFC000  }
0x93: {  	[tilespmem:s22], [sflag:$0x5] =	stream.linear.gather [spmem:s9], $0x4000, $0x38;
	[tilespmem:$0x1BE00] =	vst v63  }
0x94: {  	_ =	swait.ge [sflag:s23], $0x4000  }
0x95: {  	[sflag:s23] =	ssyncset.done $0x0  }
0x96: {  	[sflag:s23] =	ssyncadd.s32 $0xFFFFC000  }
0x97: {  	[hbm4b:s16+s4] =	stream.linear.scatter [tilespmem:s22], [sflag:$0x5], $0x4000, $0x38;
	[tilespmem:$0x1BE00] =	vst v63  }
0x98: {  	_ =	swait.ge [sflag:s23], $0x4000  }
0x99: {  	[sflag:s23] =	ssyncset.done $0x0  }
0x9a: {  	[sflag:s23] =	ssyncadd.s32 $0xFFFFC000  }
0x9b: {  	[tilespmem:s22], [sflag:$0x5] =	stream.linear.gather [spmem:s10], $0x4000, $0x38;
	[tilespmem:$0x1BE00] =	vst v63  }
0x9c: {  	_ =	swait.ge [sflag:s23], $0x4000  }
0x9d: {  	[sflag:s23] =	ssyncset.done $0x0  }
0x9e: {  	[sflag:s23] =	ssyncadd.s32 $0xFFFFC000  }
0x9f: {  	[hbm4b:s17+s4] =	stream.linear.scatter [tilespmem:s22], [sflag:$0x5], $0x4000, $0x38;
	[tilespmem:$0x1BE00] =	vst v63  }
0xa0: {  	_ =	swait.ge [sflag:s23], $0x4000  }
0xa1: {  	[sflag:s23] =	ssyncset.done $0x0  }
0xa2: {  	[sflag:s23] =	ssyncadd.s32 $0xFFFFC000  }
0xa3: {  	[tilespmem:s22], [sflag:$0x5] =	stream.linear.gather [spmem:s12], $0x3C00, $0x38;
	[tilespmem:$0x1BE00] =	vst v63  }
0xa4: {  	s3 =	sadd.s32 $0x1, s3;
	_ =	swait.ge [sflag:s23], $0x3C00  }
0xa5: {  	p0 =	sne.s32 s3, s19;
	[sflag:s23] =	ssyncset.done $0x0  }
.Ltmp1:
0xa6: {  	[sflag:s23] =	ssyncadd.s32 $0xFFFFC400;
	(pc) =	sbr.rel @p0 .LBB2_1-.Ltmp1, $4  }
0xa7: {  	[hbm4b:s18+s4] =	stream.linear.scatter [tilespmem:s22], [sflag:$0x5], $0x3C00, $0x38;
	[tilespmem:$0x1BE00] =	vst v63  }
0xa8: {  	_ =	swait.ge [sflag:s23], $0x3C00  }
0xa9: {  	[sflag:s23] =	ssyncset.done $0x0  }
0xaa: {  	[sflag:s23] =	ssyncadd.s32 $0xFFFFC400  }
0xab: {  	_ =	sfence.sel $0x180000  }
0xac: {  	[bflag:$0x0] =	sbarrier.arrive $0xFFFF  }
0xad: {  	_ =	strace $0x90000047  }
0xae: {  	s0 =	stileid.u32;
	[bflag:$0x2] =	sbarrier.arrive $0xFFFF  }
0xaf: {  	p0 =	sne.s32 s0, $0x0;
	s0 =	rddreg [dreg:$0x3]  }
0xb0: {  	s0 =	sadd.s32 @!p0 $0x100000, s0  }
0xb1: {  	[sflag:s0] =	ssyncadd.tile.s32 @!p0 $0x1;
	_ =	shalt  }
.Lfunc_end2:
_tile_overlayer_lowered:
.L_overlay_start_2:
0xb2: {  	(tag) =	ssettag $0x2  }
0xb3: {  	s0 =	rddreg [dreg:$0x0];
	s2 =	stileid.u32  }
0xb4: {  	s1 =	rddreg [dreg:$0x1];
	p0 =	sne.s32 s2, $0x0  }
0xb5: {  	s3 =	rddreg [dreg:$0x2];
	[bflag:$0x3] =	sbarrier.arrive $0xFFFF;
	s2 =	simm.s32 @!p0 $0x1C05  }
0xb6: {  	[timem:s3], [sflag:s2] =	dma.local @!p0 [hbm:s0], s1  }
0xb7: {  	s0 =	simm.s32 @!p0 $0x5  }
0xb8: {  	_ =	swait.ge @!p0 [sflag:s0], s1  }
0xb9: {  	s1 =	ssub.s32 @!p0 $0x0, s1;
	[sflag:s0] =	ssyncset.done @!p0 $0x0  }
0xba: {  	[sflag:s0] =	ssyncadd.s32 @!p0 s1  }
0xbb: {  	[bflag:$0x3] =	sbarrier.arrive $0xFFFF  }
0xbc: {  	_ =	shalt  }

</sc_bundles>
